<compile_context>
chip_gen: v7x
topology: tpu7x:2x2x1
jax: 0.10.2.dev20260603
libtpu: 0.0.44.dev20260713+nightly
codegen_flags: <defaults>
</compile_context>

<pallas_src>
import functools

import jax
import jax.numpy as jnp
from jax import lax
from jax.experimental import pallas as pl
from jax.experimental.pallas import tpu as pltpu
from jax.experimental.pallas import tpu_sc as plsc

NUM_CLASSES = 1000
N_ROWS = 16384
SEG = 26

NC, NS = 2, 16
NW = NC * NS
ROWS_PER_W = N_ROWS // NW
C = 2
XC = C * SEG
XC_PAD = 64
NCHUNK = ROWS_PER_W // C

_mesh = plsc.VectorSubcoreMesh(core_axis_name="c", subcore_axis_name="s")


@functools.partial(
    pl.kernel,
    out_type=jax.ShapeDtypeStruct((N_ROWS, SEG, NUM_CLASSES), jnp.float32),
    mesh=_mesh,
    compiler_params=pltpu.CompilerParams(needs_layout_passes=False),
    scratch_types=[
        pltpu.VMEM((C, SEG, NUM_CLASSES), jnp.float32),
        pltpu.VMEM((NCHUNK * XC_PAD,), jnp.int32),
        pltpu.SemaphoreType.DMA,
        pltpu.SemaphoreType.DMA,
    ],
)
def _sc_onehot(xp_hbm, out_hbm, buf, xv, sem, semx):
    wid = lax.axis_index("s") * NC + lax.axis_index("c")
    rbase = wid * ROWS_PER_W

    pltpu.async_copy(
        xp_hbm.at[pl.ds(wid * NCHUNK * XC_PAD, NCHUNK * XC_PAD)], xv, semx
    ).wait()

    zeros16 = jnp.zeros((16,), jnp.float32)
    ones16 = jnp.ones((16,), jnp.float32)
    lane = lax.iota(jnp.int32, 16)

    offs = list(range(0, 16 * (NUM_CLASSES // 16), 16)) + [NUM_CLASSES - 16]

    @pl.loop(0, SEG)
    def _zero(c):
        for r in range(C):
            for o in offs:
                buf[r, c, pl.ds(o, 16)] = zeros16

    def scat(k, vals):
        for g in range(XC_PAD // 16):
            s = lane + 16 * g
            m = s < XC
            r = (s >= SEG).astype(jnp.int32)
            c = s - SEG * r
            xs = xv[pl.ds(k * XC_PAD + 16 * g, 16)]
            plsc.store_scatter(buf, [r, c, xs], vals, mask=m)

    @pl.loop(0, NCHUNK)
    def _body(k):
        scat(k, ones16)
        pltpu.async_copy(
            buf, out_hbm.at[pl.ds(rbase + k * C, C)], sem
        ).wait()
        scat(k, zeros16)


def kernel(x):
    xp = jnp.pad(
        x.astype(jnp.int32).reshape(N_ROWS * SEG // XC, XC),
        ((0, 0), (0, XC_PAD - XC)),
    ).reshape(-1)
    return _sc_onehot(xp)

# --- scband reference (transcript-rebuilt; emitter-appended) ---
"""Pipeline reference for scband-one-hot-16681652978353 (READ-ONLY COPY).

The authoritative reference and input builder live on the scoring server;
editing this copy changes nothing except your own understanding.
"""

import jax, jax.numpy as jnp
import numpy as np

NUM_CLASSES = 1000

def setup_inputs(seed: int = 0) -> dict:
    key = jax.random.key(seed)
    x = jax.random.randint(key, (16384, 26), 0, NUM_CLASSES, dtype=jnp.int64)
    return {"x": x}

def reference(x) -> jnp.ndarray:
    # torch.nn.functional.one_hot(x, num_classes).to(torch.float)
    return jax.nn.one_hot(x, NUM_CLASSES, dtype=jnp.float32)

if __name__ == "__main__":
    import jax
    _d = setup_inputs()
    print(jax.jit(kernel)(*tuple(_d.values())))

</pallas_src>

<mosaic_0001>
#map = affine_map<(d0, d1) -> (0)>
#map1 = affine_map<(d0, d1) -> (0, 0, 0)>
module attributes {stable_mosaic.version = 14 : i64} {
  func.func @_sc_onehot(%arg0: i32, %arg1: i32, %arg2: memref<524288xi32, #tpu.memory_space<hbm>>, %arg3: memref<16384x26x1000xf32, #tpu.memory_space<hbm>>, %arg4: memref<2x26x1000xf32, #tpu.memory_space<vmem>>, %arg5: memref<16384xi32, #tpu.memory_space<vmem>>, %arg6: memref<!tpu.dma_semaphore, #tpu.memory_space<semaphore_mem>>, %arg7: memref<!tpu.dma_semaphore, #tpu.memory_space<semaphore_mem>>) attributes {dimension_semantics = [#tpu.dimension_semantics<core_parallel>, #tpu.dimension_semantics<subcore_parallel>], iteration_bounds = array<i64: 2, 16>, scalar_prefetch = 0 : i64, scratch_operands = 4 : i64, tpu.core_type = #tpu.core_type<sc_vector_subcore>, window_params = [{transform_indices = #map}, {transform_indices = #map1}]} {
    %mul3A = arith.constant 2 : i32
    %mul3A_0 = arith.muli %arg1, %mul3A : i32
    %add3A = arith.addi %mul3A_0, %arg0 : i32
    %mul3A_1 = arith.constant 512 : i32
    %mul3A_2 = arith.muli %add3A, %mul3A_1 : i32
    %mul3A_3 = arith.constant 256 : i32
    %mul3A_4 = arith.muli %add3A, %mul3A_3 : i32
    %mul3A_5 = arith.constant 64 : i32
    %mul3A_6 = arith.muli %mul3A_4, %mul3A_5 : i32
    %dma_start3A = tpu.memref_slice %arg2[%mul3A_6] : memref<524288xi32, #tpu.memory_space<hbm>> -> memref<16384xi32, #tpu.memory_space<hbm>>
    %dma_start3A_7 = tpu.memref_slice %arg2[%mul3A_6] : memref<524288xi32, #tpu.memory_space<hbm>> -> memref<16384xi32, #tpu.memory_space<hbm>>
    tpu.enqueue_dma source(%dma_start3A_7 : memref<16384xi32, #tpu.memory_space<hbm>>) target(%arg5 : memref<16384xi32, #tpu.memory_space<vmem>>) target_semaphore(%arg7 : memref<!tpu.dma_semaphore, #tpu.memory_space<semaphore_mem>>)
    %dma_wait3A = tpu.memref_slice %arg2[%mul3A_6] : memref<524288xi32, #tpu.memory_space<hbm>> -> memref<16384xi32, #tpu.memory_space<hbm>>
    %dma_wait3A_8 = tpu.memref_slice %arg2[%mul3A_6] : memref<524288xi32, #tpu.memory_space<hbm>> -> memref<16384xi32, #tpu.memory_space<hbm>>
    tpu.wait_dma2 semaphore(%arg7 : memref<!tpu.dma_semaphore, #tpu.memory_space<semaphore_mem>>) src(%dma_wait3A_8 : memref<16384xi32, #tpu.memory_space<hbm>>) dst(%arg5 : memref<16384xi32, #tpu.memory_space<vmem>>)
    %broadcast_in_dim3A = arith.constant 0.000000e+00 : f32
    %broadcast_in_dim3A_9 = vector.broadcast %broadcast_in_dim3A : f32 to vector<16xf32>
    %broadcast_in_dim3A_10 = arith.constant 1.000000e+00 : f32
    %broadcast_in_dim3A_11 = vector.broadcast %broadcast_in_dim3A_10 : f32 to vector<16xf32>
    %iota3A = tpu.iota {dimensions = array<i32: 0>} : vector<16xi32>
    %scan3A = arith.constant 0 : i32
    %scan3A_12 = arith.constant 26 : i32
    %scan3A_13 = arith.addi %scan3A, %scan3A_12 : i32
    %scan3A_14 = arith.constant 1 : i32
    scf.for %scan3A_21 = %scan3A to %scan3A_13 step %scan3A_14  : i32 {
      %mul3A_22 = arith.constant 1 : i32
      %mul3A_23 = arith.muli %scan3A_21, %mul3A_22 : i32
      %add3A_24 = arith.constant 0 : i32
      %add3A_25 = arith.addi %add3A_24, %mul3A_23 : i32
      %swap3A = arith.constant 0 : i32
      %swap3A_26 = arith.index_cast %swap3A : i32 to index
      %swap3A_27 = arith.index_cast %add3A_25 : i32 to index
      %swap3A_28 = arith.constant 0 : index
      %swap3A_29 = tpu.vector_load %arg4[%swap3A_26, %swap3A_27, %swap3A_28] {strides = array<i32>} : memref<2x26x1000xf32, #tpu.memory_space<vmem>>, vector<16xf32>,
      tpu.vector_store %arg4[%swap3A_26, %swap3A_27, %swap3A_28], %broadcast_in_dim3A_9 {strides = array<i32>} : memref<2x26x1000xf32, #tpu.memory_space<vmem>>, vector<16xf32>,
      %swap3A_30 = arith.constant 0 : i32
      %swap3A_31 = arith.index_cast %swap3A_30 : i32 to index
      %swap3A_32 = arith.index_cast %add3A_25 : i32 to index
      %swap3A_33 = arith.constant 16 : index
      %swap3A_34 = tpu.vector_load %arg4[%swap3A_31, %swap3A_32, %swap3A_33] {strides = array<i32>} : memref<2x26x1000xf32, #tpu.memory_space<vmem>>, vector<16xf32>,
      tpu.vector_store %arg4[%swap3A_31, %swap3A_32, %swap3A_33], %broadcast_in_dim3A_9 {strides = array<i32>} : memref<2x26x1000xf32, #tpu.memory_space<vmem>>, vector<16xf32>,
      %swap3A_35 = arith.constant 0 : i32
      %swap3A_36 = arith.index_cast %swap3A_35 : i32 to index
      %swap3A_37 = arith.index_cast %add3A_25 : i32 to index
      %swap3A_38 = arith.constant 32 : index
      %swap3A_39 = tpu.vector_load %arg4[%swap3A_36, %swap3A_37, %swap3A_38] {strides = array<i32>} : memref<2x26x1000xf32, #tpu.memory_space<vmem>>, vector<16xf32>,
      tpu.vector_store %arg4[%swap3A_36, %swap3A_37, %swap3A_38], %broadcast_in_dim3A_9 {strides = array<i32>} : memref<2x26x1000xf32, #tpu.memory_space<vmem>>, vector<16xf32>,
      %swap3A_40 = arith.constant 0 : i32
      %swap3A_41 = arith.index_cast %swap3A_40 : i32 to index
      %swap3A_42 = arith.index_cast %add3A_25 : i32 to index
      %swap3A_43 = arith.constant 48 : index
      %swap3A_44 = tpu.vector_load %arg4[%swap3A_41, %swap3A_42, %swap3A_43] {strides = array<i32>} : memref<2x26x1000xf32, #tpu.memory_space<vmem>>, vector<16xf32>,
      tpu.vector_store %arg4[%swap3A_41, %swap3A_42, %swap3A_43], %broadcast_in_dim3A_9 {strides = array<i32>} : memref<2x26x1000xf32, #tpu.memory_space<vmem>>, vector<16xf32>,
      %swap3A_45 = arith.constant 0 : i32
      %swap3A_46 = arith.index_cast %swap3A_45 : i32 to index
      %swap3A_47 = arith.index_cast %add3A_25 : i32 to index
      %swap3A_48 = arith.constant 64 : index
      %swap3A_49 = tpu.vector_load %arg4[%swap3A_46, %swap3A_47, %swap3A_48] {strides = array<i32>} : memref<2x26x1000xf32, #tpu.memory_space<vmem>>, vector<16xf32>,
      tpu.vector_store %arg4[%swap3A_46, %swap3A_47, %swap3A_48], %broadcast_in_dim3A_9 {strides = array<i32>} : memref<2x26x1000xf32, #tpu.memory_space<vmem>>, vector<16xf32>,
      %swap3A_50 = arith.constant 0 : i32
      %swap3A_51 = arith.index_cast %swap3A_50 : i32 to index
      %swap3A_52 = arith.index_cast %add3A_25 : i32 to index
      %swap3A_53 = arith.constant 80 : index
      %swap3A_54 = tpu.vector_load %arg4[%swap3A_51, %swap3A_52, %swap3A_53] {strides = array<i32>} : memref<2x26x1000xf32, #tpu.memory_space<vmem>>, vector<16xf32>,
      tpu.vector_store %arg4[%swap3A_51, %swap3A_52, %swap3A_53], %broadcast_in_dim3A_9 {strides = array<i32>} : memref<2x26x1000xf32, #tpu.memory_space<vmem>>, vector<16xf32>,
      %swap3A_55 = arith.constant 0 : i32
      %swap3A_56 = arith.index_cast %swap3A_55 : i32 to index
      %swap3A_57 = arith.index_cast %add3A_25 : i32 to index
      %swap3A_58 = arith.constant 96 : index
      %swap3A_59 = tpu.vector_load %arg4[%swap3A_56, %swap3A_57, %swap3A_58] {strides = array<i32>} : memref<2x26x1000xf32, #tpu.memory_space<vmem>>, vector<16xf32>,
      tpu.vector_store %arg4[%swap3A_56, %swap3A_57, %swap3A_58], %broadcast_in_dim3A_9 {strides = array<i32>} : memref<2x26x1000xf32, #tpu.memory_space<vmem>>, vector<16xf32>,
      %swap3A_60 = arith.constant 0 : i32
      %swap3A_61 = arith.index_cast %swap3A_60 : i32 to index
      %swap3A_62 = arith.index_cast %add3A_25 : i32 to index
      %swap3A_63 = arith.constant 112 : index
      %swap3A_64 = tpu.vector_load %arg4[%swap3A_61, %swap3A_62, %swap3A_63] {strides = array<i32>} : memref<2x26x1000xf32, #tpu.memory_space<vmem>>, vector<16xf32>,
      tpu.vector_store %arg4[%swap3A_61, %swap3A_62, %swap3A_63], %broadcast_in_dim3A_9 {strides = array<i32>} : memref<2x26x1000xf32, #tpu.memory_space<vmem>>, vector<16xf32>,
      %swap3A_65 = arith.constant 0 : i32
      %swap3A_66 = arith.index_cast %swap3A_65 : i32 to index
      %swap3A_67 = arith.index_cast %add3A_25 : i32 to index
      %swap3A_68 = arith.constant 128 : index
      %swap3A_69 = tpu.vector_load %arg4[%swap3A_66, %swap3A_67, %swap3A_68] {strides = array<i32>} : memref<2x26x1000xf32, #tpu.memory_space<vmem>>, vector<16xf32>,
      tpu.vector_store %arg4[%swap3A_66, %swap3A_67, %swap3A_68], %broadcast_in_dim3A_9 {strides = array<i32>} : memref<2x26x1000xf32, #tpu.memory_space<vmem>>, vector<16xf32>,
      %swap3A_70 = arith.constant 0 : i32
      %swap3A_71 = arith.index_cast %swap3A_70 : i32 to index
      %swap3A_72 = arith.index_cast %add3A_25 : i32 to index
      %swap3A_73 = arith.constant 144 : index
      %swap3A_74 = tpu.vector_load %arg4[%swap3A_71, %swap3A_72, %swap3A_73] {strides = array<i32>} : memref<2x26x1000xf32, #tpu.memory_space<vmem>>, vector<16xf32>,
      tpu.vector_store %arg4[%swap3A_71, %swap3A_72, %swap3A_73], %broadcast_in_dim3A_9 {strides = array<i32>} : memref<2x26x1000xf32, #tpu.memory_space<vmem>>, vector<16xf32>,
      %swap3A_75 = arith.constant 0 : i32
      %swap3A_76 = arith.index_cast %swap3A_75 : i32 to index
      %swap3A_77 = arith.index_cast %add3A_25 : i32 to index
      %swap3A_78 = arith.constant 160 : index
      %swap3A_79 = tpu.vector_load %arg4[%swap3A_76, %swap3A_77, %swap3A_78] {strides = array<i32>} : memref<2x26x1000xf32, #tpu.memory_space<vmem>>, vector<16xf32>,
      tpu.vector_store %arg4[%swap3A_76, %swap3A_77, %swap3A_78], %broadcast_in_dim3A_9 {strides = array<i32>} : memref<2x26x1000xf32, #tpu.memory_space<vmem>>, vector<16xf32>,
      %swap3A_80 = arith.constant 0 : i32
      %swap3A_81 = arith.index_cast %swap3A_80 : i32 to index
      %swap3A_82 = arith.index_cast %add3A_25 : i32 to index
      %swap3A_83 = arith.constant 176 : index
      %swap3A_84 = tpu.vector_load %arg4[%swap3A_81, %swap3A_82, %swap3A_83] {strides = array<i32>} : memref<2x26x1000xf32, #tpu.memory_space<vmem>>, vector<16xf32>,
      tpu.vector_store %arg4[%swap3A_81, %swap3A_82, %swap3A_83], %broadcast_in_dim3A_9 {strides = array<i32>} : memref<2x26x1000xf32, #tpu.memory_space<vmem>>, vector<16xf32>,
      %swap3A_85 = arith.constant 0 : i32
      %swap3A_86 = arith.index_cast %swap3A_85 : i32 to index
      %swap3A_87 = arith.index_cast %add3A_25 : i32 to index
      %swap3A_88 = arith.constant 192 : index
      %swap3A_89 = tpu.vector_load %arg4[%swap3A_86, %swap3A_87, %swap3A_88] {strides = array<i32>} : memref<2x26x1000xf32, #tpu.memory_space<vmem>>, vector<16xf32>,
      tpu.vector_store %arg4[%swap3A_86, %swap3A_87, %swap3A_88], %broadcast_in_dim3A_9 {strides = array<i32>} : memref<2x26x1000xf32, #tpu.memory_space<vmem>>, vector<16xf32>,
      %swap3A_90 = arith.constant 0 : i32
      %swap3A_91 = arith.index_cast %swap3A_90 : i32 to index
      %swap3A_92 = arith.index_cast %add3A_25 : i32 to index
      %swap3A_93 = arith.constant 208 : index
      %swap3A_94 = tpu.vector_load %arg4[%swap3A_91, %swap3A_92, %swap3A_93] {strides = array<i32>} : memref<2x26x1000xf32, #tpu.memory_space<vmem>>, vector<16xf32>,
      tpu.vector_store %arg4[%swap3A_91, %swap3A_92, %swap3A_93], %broadcast_in_dim3A_9 {strides = array<i32>} : memref<2x26x1000xf32, #tpu.memory_space<vmem>>, vector<16xf32>,
      %swap3A_95 = arith.constant 0 : i32
      %swap3A_96 = arith.index_cast %swap3A_95 : i32 to index
      %swap3A_97 = arith.index_cast %add3A_25 : i32 to index
      %swap3A_98 = arith.constant 224 : index
      %swap3A_99 = tpu.vector_load %arg4[%swap3A_96, %swap3A_97, %swap3A_98] {strides = array<i32>} : memref<2x26x1000xf32, #tpu.memory_space<vmem>>, vector<16xf32>,
      tpu.vector_store %arg4[%swap3A_96, %swap3A_97, %swap3A_98], %broadcast_in_dim3A_9 {strides = array<i32>} : memref<2x26x1000xf32, #tpu.memory_space<vmem>>, vector<16xf32>,
      %swap3A_100 = arith.constant 0 : i32
      %swap3A_101 = arith.index_cast %swap3A_100 : i32 to index
      %swap3A_102 = arith.index_cast %add3A_25 : i32 to index
      %swap3A_103 = arith.constant 240 : index
      %swap3A_104 = tpu.vector_load %arg4[%swap3A_101, %swap3A_102, %swap3A_103] {strides = array<i32>} : memref<2x26x1000xf32, #tpu.memory_space<vmem>>, vector<16xf32>,
      tpu.vector_store %arg4[%swap3A_101, %swap3A_102, %swap3A_103], %broadcast_in_dim3A_9 {strides = array<i32>} : memref<2x26x1000xf32, #tpu.memory_space<vmem>>, vector<16xf32>,
      %swap3A_105 = arith.constant 0 : i32
      %swap3A_106 = arith.index_cast %swap3A_105 : i32 to index
      %swap3A_107 = arith.index_cast %add3A_25 : i32 to index
      %swap3A_108 = arith.constant 256 : index
      %swap3A_109 = tpu.vector_load %arg4[%swap3A_106, %swap3A_107, %swap3A_108] {strides = array<i32>} : memref<2x26x1000xf32, #tpu.memory_space<vmem>>, vector<16xf32>,
      tpu.vector_store %arg4[%swap3A_106, %swap3A_107, %swap3A_108], %broadcast_in_dim3A_9 {strides = array<i32>} : memref<2x26x1000xf32, #tpu.memory_space<vmem>>, vector<16xf32>,
      %swap3A_110 = arith.constant 0 : i32
      %swap3A_111 = arith.index_cast %swap3A_110 : i32 to index
      %swap3A_112 = arith.index_cast %add3A_25 : i32 to index
      %swap3A_113 = arith.constant 272 : index
      %swap3A_114 = tpu.vector_load %arg4[%swap3A_111, %swap3A_112, %swap3A_113] {strides = array<i32>} : memref<2x26x1000xf32, #tpu.memory_space<vmem>>, vector<16xf32>,
      tpu.vector_store %arg4[%swap3A_111, %swap3A_112, %swap3A_113], %broadcast_in_dim3A_9 {strides = array<i32>} : memref<2x26x1000xf32, #tpu.memory_space<vmem>>, vector<16xf32>,
      %swap3A_115 = arith.constant 0 : i32
      %swap3A_116 = arith.index_cast %swap3A_115 : i32 to index
      %swap3A_117 = arith.index_cast %add3A_25 : i32 to index
      %swap3A_118 = arith.constant 288 : index
      %swap3A_119 = tpu.vector_load %arg4[%swap3A_116, %swap3A_117, %swap3A_118] {strides = array<i32>} : memref<2x26x1000xf32, #tpu.memory_space<vmem>>, vector<16xf32>,
      tpu.vector_store %arg4[%swap3A_116, %swap3A_117, %swap3A_118], %broadcast_in_dim3A_9 {strides = array<i32>} : memref<2x26x1000xf32, #tpu.memory_space<vmem>>, vector<16xf32>,
      %swap3A_120 = arith.constant 0 : i32
      %swap3A_121 = arith.index_cast %swap3A_120 : i32 to index
      %swap3A_122 = arith.index_cast %add3A_25 : i32 to index
      %swap3A_123 = arith.constant 304 : index
      %swap3A_124 = tpu.vector_load %arg4[%swap3A_121, %swap3A_122, %swap3A_123] {strides = array<i32>} : memref<2x26x1000xf32, #tpu.memory_space<vmem>>, vector<16xf32>,
      tpu.vector_store %arg4[%swap3A_121, %swap3A_122, %swap3A_123], %broadcast_in_dim3A_9 {strides = array<i32>} : memref<2x26x1000xf32, #tpu.memory_space<vmem>>, vector<16xf32>,
      %swap3A_125 = arith.constant 0 : i32
      %swap3A_126 = arith.index_cast %swap3A_125 : i32 to index
      %swap3A_127 = arith.index_cast %add3A_25 : i32 to index
      %swap3A_128 = arith.constant 320 : index
      %swap3A_129 = tpu.vector_load %arg4[%swap3A_126, %swap3A_127, %swap3A_128] {strides = array<i32>} : memref<2x26x1000xf32, #tpu.memory_space<vmem>>, vector<16xf32>,
      tpu.vector_store %arg4[%swap3A_126, %swap3A_127, %swap3A_128], %broadcast_in_dim3A_9 {strides = array<i32>} : memref<2x26x1000xf32, #tpu.memory_space<vmem>>, vector<16xf32>,
      %swap3A_130 = arith.constant 0 : i32
      %swap3A_131 = arith.index_cast %swap3A_130 : i32 to index
      %swap3A_132 = arith.index_cast %add3A_25 : i32 to index
      %swap3A_133 = arith.constant 336 : index
      %swap3A_134 = tpu.vector_load %arg4[%swap3A_131, %swap3A_132, %swap3A_133] {strides = array<i32>} : memref<2x26x1000xf32, #tpu.memory_space<vmem>>, vector<16xf32>,
      tpu.vector_store %arg4[%swap3A_131, %swap3A_132, %swap3A_133], %broadcast_in_dim3A_9 {strides = array<i32>} : memref<2x26x1000xf32, #tpu.memory_space<vmem>>, vector<16xf32>,
      %swap3A_135 = arith.constant 0 : i32
      %swap3A_136 = arith.index_cast %swap3A_135 : i32 to index
      %swap3A_137 = arith.index_cast %add3A_25 : i32 to index
      %swap3A_138 = arith.constant 352 : index
      %swap3A_139 = tpu.vector_load %arg4[%swap3A_136, %swap3A_137, %swap3A_138] {strides = array<i32>} : memref<2x26x1000xf32, #tpu.memory_space<vmem>>, vector<16xf32>,
      tpu.vector_store %arg4[%swap3A_136, %swap3A_137, %swap3A_138], %broadcast_in_dim3A_9 {strides = array<i32>} : memref<2x26x1000xf32, #tpu.memory_space<vmem>>, vector<16xf32>,
      %swap3A_140 = arith.constant 0 : i32
      %swap3A_141 = arith.index_cast %swap3A_140 : i32 to index
      %swap3A_142 = arith.index_cast %add3A_25 : i32 to index
      %swap3A_143 = arith.constant 368 : index
      %swap3A_144 = tpu.vector_load %arg4[%swap3A_141, %swap3A_142, %swap3A_143] {strides = array<i32>} : memref<2x26x1000xf32, #tpu.memory_space<vmem>>, vector<16xf32>,
      tpu.vector_store %arg4[%swap3A_141, %swap3A_142, %swap3A_143], %broadcast_in_dim3A_9 {strides = array<i32>} : memref<2x26x1000xf32, #tpu.memory_space<vmem>>, vector<16xf32>,
      %swap3A_145 = arith.constant 0 : i32
      %swap3A_146 = arith.index_cast %swap3A_145 : i32 to index
      %swap3A_147 = arith.index_cast %add3A_25 : i32 to index
      %swap3A_148 = arith.constant 384 : index
      %swap3A_149 = tpu.vector_load %arg4[%swap3A_146, %swap3A_147, %swap3A_148] {strides = array<i32>} : memref<2x26x1000xf32, #tpu.memory_space<vmem>>, vector<16xf32>,
      tpu.vector_store %arg4[%swap3A_146, %swap3A_147, %swap3A_148], %broadcast_in_dim3A_9 {strides = array<i32>} : memref<2x26x1000xf32, #tpu.memory_space<vmem>>, vector<16xf32>,
      %swap3A_150 = arith.constant 0 : i32
      %swap3A_151 = arith.index_cast %swap3A_150 : i32 to index
      %swap3A_152 = arith.index_cast %add3A_25 : i32 to index
      %swap3A_153 = arith.constant 400 : index
      %swap3A_154 = tpu.vector_load %arg4[%swap3A_151, %swap3A_152, %swap3A_153] {strides = array<i32>} : memref<2x26x1000xf32, #tpu.memory_space<vmem>>, vector<16xf32>,
      tpu.vector_store %arg4[%swap3A_151, %swap3A_152, %swap3A_153], %broadcast_in_dim3A_9 {strides = array<i32>} : memref<2x26x1000xf32, #tpu.memory_space<vmem>>, vector<16xf32>,
      %swap3A_155 = arith.constant 0 : i32
      %swap3A_156 = arith.index_cast %swap3A_155 : i32 to index
      %swap3A_157 = arith.index_cast %add3A_25 : i32 to index
      %swap3A_158 = arith.constant 416 : index
      %swap3A_159 = tpu.vector_load %arg4[%swap3A_156, %swap3A_157, %swap3A_158] {strides = array<i32>} : memref<2x26x1000xf32, #tpu.memory_space<vmem>>, vector<16xf32>,
      tpu.vector_store %arg4[%swap3A_156, %swap3A_157, %swap3A_158], %broadcast_in_dim3A_9 {strides = array<i32>} : memref<2x26x1000xf32, #tpu.memory_space<vmem>>, vector<16xf32>,
      %swap3A_160 = arith.constant 0 : i32
      %swap3A_161 = arith.index_cast %swap3A_160 : i32 to index
      %swap3A_162 = arith.index_cast %add3A_25 : i32 to index
      %swap3A_163 = arith.constant 432 : index
      %swap3A_164 = tpu.vector_load %arg4[%swap3A_161, %swap3A_162, %swap3A_163] {strides = array<i32>} : memref<2x26x1000xf32, #tpu.memory_space<vmem>>, vector<16xf32>,
      tpu.vector_store %arg4[%swap3A_161, %swap3A_162, %swap3A_163], %broadcast_in_dim3A_9 {strides = array<i32>} : memref<2x26x1000xf32, #tpu.memory_space<vmem>>, vector<16xf32>,
      %swap3A_165 = arith.constant 0 : i32
      %swap3A_166 = arith.index_cast %swap3A_165 : i32 to index
      %swap3A_167 = arith.index_cast %add3A_25 : i32 to index
      %swap3A_168 = arith.constant 448 : index
      %swap3A_169 = tpu.vector_load %arg4[%swap3A_166, %swap3A_167, %swap3A_168] {strides = array<i32>} : memref<2x26x1000xf32, #tpu.memory_space<vmem>>, vector<16xf32>,
      tpu.vector_store %arg4[%swap3A_166, %swap3A_167, %swap3A_168], %broadcast_in_dim3A_9 {strides = array<i32>} : memref<2x26x1000xf32, #tpu.memory_space<vmem>>, vector<16xf32>,
      %swap3A_170 = arith.constant 0 : i32
      %swap3A_171 = arith.index_cast %swap3A_170 : i32 to index
      %swap3A_172 = arith.index_cast %add3A_25 : i32 to index
      %swap3A_173 = arith.constant 464 : index
      %swap3A_174 = tpu.vector_load %arg4[%swap3A_171, %swap3A_172, %swap3A_173] {strides = array<i32>} : memref<2x26x1000xf32, #tpu.memory_space<vmem>>, vector<16xf32>,
      tpu.vector_store %arg4[%swap3A_171, %swap3A_172, %swap3A_173], %broadcast_in_dim3A_9 {strides = array<i32>} : memref<2x26x1000xf32, #tpu.memory_space<vmem>>, vector<16xf32>,
      %swap3A_175 = arith.constant 0 : i32
      %swap3A_176 = arith.index_cast %swap3A_175 : i32 to index
      %swap3A_177 = arith.index_cast %add3A_25 : i32 to index
      %swap3A_178 = arith.constant 480 : index
      %swap3A_179 = tpu.vector_load %arg4[%swap3A_176, %swap3A_177, %swap3A_178] {strides = array<i32>} : memref<2x26x1000xf32, #tpu.memory_space<vmem>>, vector<16xf32>,
      tpu.vector_store %arg4[%swap3A_176, %swap3A_177, %swap3A_178], %broadcast_in_dim3A_9 {strides = array<i32>} : memref<2x26x1000xf32, #tpu.memory_space<vmem>>, vector<16xf32>,
      %swap3A_180 = arith.constant 0 : i32
      %swap3A_181 = arith.index_cast %swap3A_180 : i32 to index
      %swap3A_182 = arith.index_cast %add3A_25 : i32 to index
      %swap3A_183 = arith.constant 496 : index
      %swap3A_184 = tpu.vector_load %arg4[%swap3A_181, %swap3A_182, %swap3A_183] {strides = array<i32>} : memref<2x26x1000xf32, #tpu.memory_space<vmem>>, vector<16xf32>,
      tpu.vector_store %arg4[%swap3A_181, %swap3A_182, %swap3A_183], %broadcast_in_dim3A_9 {strides = array<i32>} : memref<2x26x1000xf32, #tpu.memory_space<vmem>>, vector<16xf32>,
      %swap3A_185 = arith.constant 0 : i32
      %swap3A_186 = arith.index_cast %swap3A_185 : i32 to index
      %swap3A_187 = arith.index_cast %add3A_25 : i32 to index
      %swap3A_188 = arith.constant 512 : index
      %swap3A_189 = tpu.vector_load %arg4[%swap3A_186, %swap3A_187, %swap3A_188] {strides = array<i32>} : memref<2x26x1000xf32, #tpu.memory_space<vmem>>, vector<16xf32>,
      tpu.vector_store %arg4[%swap3A_186, %swap3A_187, %swap3A_188], %broadcast_in_dim3A_9 {strides = array<i32>} : memref<2x26x1000xf32, #tpu.memory_space<vmem>>, vector<16xf32>,
      %swap3A_190 = arith.constant 0 : i32
      %swap3A_191 = arith.index_cast %swap3A_190 : i32 to index
      %swap3A_192 = arith.index_cast %add3A_25 : i32 to index
      %swap3A_193 = arith.constant 528 : index
      %swap3A_194 = tpu.vector_load %arg4[%swap3A_191, %swap3A_192, %swap3A_193] {strides = array<i32>} : memref<2x26x1000xf32, #tpu.memory_space<vmem>>, vector<16xf32>,
      tpu.vector_store %arg4[%swap3A_191, %swap3A_192, %swap3A_193], %broadcast_in_dim3A_9 {strides = array<i32>} : memref<2x26x1000xf32, #tpu.memory_space<vmem>>, vector<16xf32>,
      %swap3A_195 = arith.constant 0 : i32
      %swap3A_196 = arith.index_cast %swap3A_195 : i32 to index
      %swap3A_197 = arith.index_cast %add3A_25 : i32 to index
      %swap3A_198 = arith.constant 544 : index
      %swap3A_199 = tpu.vector_load %arg4[%swap3A_196, %swap3A_197, %swap3A_198] {strides = array<i32>} : memref<2x26x1000xf32, #tpu.memory_space<vmem>>, vector<16xf32>,
      tpu.vector_store %arg4[%swap3A_196, %swap3A_197, %swap3A_198], %broadcast_in_dim3A_9 {strides = array<i32>} : memref<2x26x1000xf32, #tpu.memory_space<vmem>>, vector<16xf32>,
      %swap3A_200 = arith.constant 0 : i32
      %swap3A_201 = arith.index_cast %swap3A_200 : i32 to index
      %swap3A_202 = arith.index_cast %add3A_25 : i32 to index
      %swap3A_203 = arith.constant 560 : index
      %swap3A_204 = tpu.vector_load %arg4[%swap3A_201, %swap3A_202, %swap3A_203] {strides = array<i32>} : memref<2x26x1000xf32, #tpu.memory_space<vmem>>, vector<16xf32>,
      tpu.vector_store %arg4[%swap3A_201, %swap3A_202, %swap3A_203], %broadcast_in_dim3A_9 {strides = array<i32>} : memref<2x26x1000xf32, #tpu.memory_space<vmem>>, vector<16xf32>,
      %swap3A_205 = arith.constant 0 : i32
      %swap3A_206 = arith.index_cast %swap3A_205 : i32 to index
      %swap3A_207 = arith.index_cast %add3A_25 : i32 to index
      %swap3A_208 = arith.constant 576 : index
      %swap3A_209 = tpu.vector_load %arg4[%swap3A_206, %swap3A_207, %swap3A_208] {strides = array<i32>} : memref<2x26x1000xf32, #tpu.memory_space<vmem>>, vector<16xf32>,
      tpu.vector_store %arg4[%swap3A_206, %swap3A_207, %swap3A_208], %broadcast_in_dim3A_9 {strides = array<i32>} : memref<2x26x1000xf32, #tpu.memory_space<vmem>>, vector<16xf32>,
      %swap3A_210 = arith.constant 0 : i32
      %swap3A_211 = arith.index_cast %swap3A_210 : i32 to index
      %swap3A_212 = arith.index_cast %add3A_25 : i32 to index
      %swap3A_213 = arith.constant 592 : index
      %swap3A_214 = tpu.vector_load %arg4[%swap3A_211, %swap3A_212, %swap3A_213] {strides = array<i32>} : memref<2x26x1000xf32, #tpu.memory_space<vmem>>, vector<16xf32>,
      tpu.vector_store %arg4[%swap3A_211, %swap3A_212, %swap3A_213], %broadcast_in_dim3A_9 {strides = array<i32>} : memref<2x26x1000xf32, #tpu.memory_space<vmem>>, vector<16xf32>,
      %swap3A_215 = arith.constant 0 : i32
      %swap3A_216 = arith.index_cast %swap3A_215 : i32 to index
      %swap3A_217 = arith.index_cast %add3A_25 : i32 to index
      %swap3A_218 = arith.constant 608 : index
      %swap3A_219 = tpu.vector_load %arg4[%swap3A_216, %swap3A_217, %swap3A_218] {strides = array<i32>} : memref<2x26x1000xf32, #tpu.memory_space<vmem>>, vector<16xf32>,
      tpu.vector_store %arg4[%swap3A_216, %swap3A_217, %swap3A_218], %broadcast_in_dim3A_9 {strides = array<i32>} : memref<2x26x1000xf32, #tpu.memory_space<vmem>>, vector<16xf32>,
      %swap3A_220 = arith.constant 0 : i32
      %swap3A_221 = arith.index_cast %swap3A_220 : i32 to index
      %swap3A_222 = arith.index_cast %add3A_25 : i32 to index
      %swap3A_223 = arith.constant 624 : index
      %swap3A_224 = tpu.vector_load %arg4[%swap3A_221, %swap3A_222, %swap3A_223] {strides = array<i32>} : memref<2x26x1000xf32, #tpu.memory_space<vmem>>, vector<16xf32>,
      tpu.vector_store %arg4[%swap3A_221, %swap3A_222, %swap3A_223], %broadcast_in_dim3A_9 {strides = array<i32>} : memref<2x26x1000xf32, #tpu.memory_space<vmem>>, vector<16xf32>,
      %swap3A_225 = arith.constant 0 : i32
      %swap3A_226 = arith.index_cast %swap3A_225 : i32 to index
      %swap3A_227 = arith.index_cast %add3A_25 : i32 to index
      %swap3A_228 = arith.constant 640 : index
      %swap3A_229 = tpu.vector_load %arg4[%swap3A_226, %swap3A_227, %swap3A_228] {strides = array<i32>} : memref<2x26x1000xf32, #tpu.memory_space<vmem>>, vector<16xf32>,
      tpu.vector_store %arg4[%swap3A_226, %swap3A_227, %swap3A_228], %broadcast_in_dim3A_9 {strides = array<i32>} : memref<2x26x1000xf32, #tpu.memory_space<vmem>>, vector<16xf32>,
      %swap3A_230 = arith.constant 0 : i32
      %swap3A_231 = arith.index_cast %swap3A_230 : i32 to index
      %swap3A_232 = arith.index_cast %add3A_25 : i32 to index
      %swap3A_233 = arith.constant 656 : index
      %swap3A_234 = tpu.vector_load %arg4[%swap3A_231, %swap3A_232, %swap3A_233] {strides = array<i32>} : memref<2x26x1000xf32, #tpu.memory_space<vmem>>, vector<16xf32>,
      tpu.vector_store %arg4[%swap3A_231, %swap3A_232, %swap3A_233], %broadcast_in_dim3A_9 {strides = array<i32>} : memref<2x26x1000xf32, #tpu.memory_space<vmem>>, vector<16xf32>,
      %swap3A_235 = arith.constant 0 : i32
      %swap3A_236 = arith.index_cast %swap3A_235 : i32 to index
      %swap3A_237 = arith.index_cast %add3A_25 : i32 to index
      %swap3A_238 = arith.constant 672 : index
      %swap3A_239 = tpu.vector_load %arg4[%swap3A_236, %swap3A_237, %swap3A_238] {strides = array<i32>} : memref<2x26x1000xf32, #tpu.memory_space<vmem>>, vector<16xf32>,
      tpu.vector_store %arg4[%swap3A_236, %swap3A_237, %swap3A_238], %broadcast_in_dim3A_9 {strides = array<i32>} : memref<2x26x1000xf32, #tpu.memory_space<vmem>>, vector<16xf32>,
      %swap3A_240 = arith.constant 0 : i32
      %swap3A_241 = arith.index_cast %swap3A_240 : i32 to index
      %swap3A_242 = arith.index_cast %add3A_25 : i32 to index
      %swap3A_243 = arith.constant 688 : index
      %swap3A_244 = tpu.vector_load %arg4[%swap3A_241, %swap3A_242, %swap3A_243] {strides = array<i32>} : memref<2x26x1000xf32, #tpu.memory_space<vmem>>, vector<16xf32>,
      tpu.vector_store %arg4[%swap3A_241, %swap3A_242, %swap3A_243], %broadcast_in_dim3A_9 {strides = array<i32>} : memref<2x26x1000xf32, #tpu.memory_space<vmem>>, vector<16xf32>,
      %swap3A_245 = arith.constant 0 : i32
      %swap3A_246 = arith.index_cast %swap3A_245 : i32 to index
      %swap3A_247 = arith.index_cast %add3A_25 : i32 to index
      %swap3A_248 = arith.constant 704 : index
      %swap3A_249 = tpu.vector_load %arg4[%swap3A_246, %swap3A_247, %swap3A_248] {strides = array<i32>} : memref<2x26x1000xf32, #tpu.memory_space<vmem>>, vector<16xf32>,
      tpu.vector_store %arg4[%swap3A_246, %swap3A_247, %swap3A_248], %broadcast_in_dim3A_9 {strides = array<i32>} : memref<2x26x1000xf32, #tpu.memory_space<vmem>>, vector<16xf32>,
      %swap3A_250 = arith.constant 0 : i32
      %swap3A_251 = arith.index_cast %swap3A_250 : i32 to index
      %swap3A_252 = arith.index_cast %add3A_25 : i32 to index
      %swap3A_253 = arith.constant 720 : index
      %swap3A_254 = tpu.vector_load %arg4[%swap3A_251, %swap3A_252, %swap3A_253] {strides = array<i32>} : memref<2x26x1000xf32, #tpu.memory_space<vmem>>, vector<16xf32>,
      tpu.vector_store %arg4[%swap3A_251, %swap3A_252, %swap3A_253], %broadcast_in_dim3A_9 {strides = array<i32>} : memref<2x26x1000xf32, #tpu.memory_space<vmem>>, vector<16xf32>,
      %swap3A_255 = arith.constant 0 : i32
      %swap3A_256 = arith.index_cast %swap3A_255 : i32 to index
      %swap3A_257 = arith.index_cast %add3A_25 : i32 to index
      %swap3A_258 = arith.constant 736 : index
      %swap3A_259 = tpu.vector_load %arg4[%swap3A_256, %swap3A_257, %swap3A_258] {strides = array<i32>} : memref<2x26x1000xf32, #tpu.memory_space<vmem>>, vector<16xf32>,
      tpu.vector_store %arg4[%swap3A_256, %swap3A_257, %swap3A_258], %broadcast_in_dim3A_9 {strides = array<i32>} : memref<2x26x1000xf32, #tpu.memory_space<vmem>>, vector<16xf32>,
      %swap3A_260 = arith.constant 0 : i32
      %swap3A_261 = arith.index_cast %swap3A_260 : i32 to index
      %swap3A_262 = arith.index_cast %add3A_25 : i32 to index
      %swap3A_263 = arith.constant 752 : index
      %swap3A_264 = tpu.vector_load %arg4[%swap3A_261, %swap3A_262, %swap3A_263] {strides = array<i32>} : memref<2x26x1000xf32, #tpu.memory_space<vmem>>, vector<16xf32>,
      tpu.vector_store %arg4[%swap3A_261, %swap3A_262, %swap3A_263], %broadcast_in_dim3A_9 {strides = array<i32>} : memref<2x26x1000xf32, #tpu.memory_space<vmem>>, vector<16xf32>,
      %swap3A_265 = arith.constant 0 : i32
      %swap3A_266 = arith.index_cast %swap3A_265 : i32 to index
      %swap3A_267 = arith.index_cast %add3A_25 : i32 to index
      %swap3A_268 = arith.constant 768 : index
      %swap3A_269 = tpu.vector_load %arg4[%swap3A_266, %swap3A_267, %swap3A_268] {strides = array<i32>} : memref<2x26x1000xf32, #tpu.memory_space<vmem>>, vector<16xf32>,
      tpu.vector_store %arg4[%swap3A_266, %swap3A_267, %swap3A_268], %broadcast_in_dim3A_9 {strides = array<i32>} : memref<2x26x1000xf32, #tpu.memory_space<vmem>>, vector<16xf32>,
      %swap3A_270 = arith.constant 0 : i32
      %swap3A_271 = arith.index_cast %swap3A_270 : i32 to index
      %swap3A_272 = arith.index_cast %add3A_25 : i32 to index
      %swap3A_273 = arith.constant 784 : index
      %swap3A_274 = tpu.vector_load %arg4[%swap3A_271, %swap3A_272, %swap3A_273] {strides = array<i32>} : memref<2x26x1000xf32, #tpu.memory_space<vmem>>, vector<16xf32>,
      tpu.vector_store %arg4[%swap3A_271, %swap3A_272, %swap3A_273], %broadcast_in_dim3A_9 {strides = array<i32>} : memref<2x26x1000xf32, #tpu.memory_space<vmem>>, vector<16xf32>,
      %swap3A_275 = arith.constant 0 : i32
      %swap3A_276 = arith.index_cast %swap3A_275 : i32 to index
      %swap3A_277 = arith.index_cast %add3A_25 : i32 to index
      %swap3A_278 = arith.constant 800 : index
      %swap3A_279 = tpu.vector_load %arg4[%swap3A_276, %swap3A_277, %swap3A_278] {strides = array<i32>} : memref<2x26x1000xf32, #tpu.memory_space<vmem>>, vector<16xf32>,
      tpu.vector_store %arg4[%swap3A_276, %swap3A_277, %swap3A_278], %broadcast_in_dim3A_9 {strides = array<i32>} : memref<2x26x1000xf32, #tpu.memory_space<vmem>>, vector<16xf32>,
      %swap3A_280 = arith.constant 0 : i32
      %swap3A_281 = arith.index_cast %swap3A_280 : i32 to index
      %swap3A_282 = arith.index_cast %add3A_25 : i32 to index
      %swap3A_283 = arith.constant 816 : index
      %swap3A_284 = tpu.vector_load %arg4[%swap3A_281, %swap3A_282, %swap3A_283] {strides = array<i32>} : memref<2x26x1000xf32, #tpu.memory_space<vmem>>, vector<16xf32>,
      tpu.vector_store %arg4[%swap3A_281, %swap3A_282, %swap3A_283], %broadcast_in_dim3A_9 {strides = array<i32>} : memref<2x26x1000xf32, #tpu.memory_space<vmem>>, vector<16xf32>,
      %swap3A_285 = arith.constant 0 : i32
      %swap3A_286 = arith.index_cast %swap3A_285 : i32 to index
      %swap3A_287 = arith.index_cast %add3A_25 : i32 to index
      %swap3A_288 = arith.constant 832 : index
      %swap3A_289 = tpu.vector_load %arg4[%swap3A_286, %swap3A_287, %swap3A_288] {strides = array<i32>} : memref<2x26x1000xf32, #tpu.memory_space<vmem>>, vector<16xf32>,
      tpu.vector_store %arg4[%swap3A_286, %swap3A_287, %swap3A_288], %broadcast_in_dim3A_9 {strides = array<i32>} : memref<2x26x1000xf32, #tpu.memory_space<vmem>>, vector<16xf32>,
      %swap3A_290 = arith.constant 0 : i32
      %swap3A_291 = arith.index_cast %swap3A_290 : i32 to index
      %swap3A_292 = arith.index_cast %add3A_25 : i32 to index
      %swap3A_293 = arith.constant 848 : index
      %swap3A_294 = tpu.vector_load %arg4[%swap3A_291, %swap3A_292, %swap3A_293] {strides = array<i32>} : memref<2x26x1000xf32, #tpu.memory_space<vmem>>, vector<16xf32>,
      tpu.vector_store %arg4[%swap3A_291, %swap3A_292, %swap3A_293], %broadcast_in_dim3A_9 {strides = array<i32>} : memref<2x26x1000xf32, #tpu.memory_space<vmem>>, vector<16xf32>,
      %swap3A_295 = arith.constant 0 : i32
      %swap3A_296 = arith.index_cast %swap3A_295 : i32 to index
      %swap3A_297 = arith.index_cast %add3A_25 : i32 to index
      %swap3A_298 = arith.constant 864 : index
      %swap3A_299 = tpu.vector_load %arg4[%swap3A_296, %swap3A_297, %swap3A_298] {strides = array<i32>} : memref<2x26x1000xf32, #tpu.memory_space<vmem>>, vector<16xf32>,
      tpu.vector_store %arg4[%swap3A_296, %swap3A_297, %swap3A_298], %broadcast_in_dim3A_9 {strides = array<i32>} : memref<2x26x1000xf32, #tpu.memory_space<vmem>>, vector<16xf32>,
      %swap3A_300 = arith.constant 0 : i32
      %swap3A_301 = arith.index_cast %swap3A_300 : i32 to index
      %swap3A_302 = arith.index_cast %add3A_25 : i32 to index
      %swap3A_303 = arith.constant 880 : index
      %swap3A_304 = tpu.vector_load %arg4[%swap3A_301, %swap3A_302, %swap3A_303] {strides = array<i32>} : memref<2x26x1000xf32, #tpu.memory_space<vmem>>, vector<16xf32>,
      tpu.vector_store %arg4[%swap3A_301, %swap3A_302, %swap3A_303], %broadcast_in_dim3A_9 {strides = array<i32>} : memref<2x26x1000xf32, #tpu.memory_space<vmem>>, vector<16xf32>,
      %swap3A_305 = arith.constant 0 : i32
      %swap3A_306 = arith.index_cast %swap3A_305 : i32 to index
      %swap3A_307 = arith.index_cast %add3A_25 : i32 to index
      %swap3A_308 = arith.constant 896 : index
      %swap3A_309 = tpu.vector_load %arg4[%swap3A_306, %swap3A_307, %swap3A_308] {strides = array<i32>} : memref<2x26x1000xf32, #tpu.memory_space<vmem>>, vector<16xf32>,
      tpu.vector_store %arg4[%swap3A_306, %swap3A_307, %swap3A_308], %broadcast_in_dim3A_9 {strides = array<i32>} : memref<2x26x1000xf32, #tpu.memory_space<vmem>>, vector<16xf32>,
      %swap3A_310 = arith.constant 0 : i32
      %swap3A_311 = arith.index_cast %swap3A_310 : i32 to index
      %swap3A_312 = arith.index_cast %add3A_25 : i32 to index
      %swap3A_313 = arith.constant 912 : index
      %swap3A_314 = tpu.vector_load %arg4[%swap3A_311, %swap3A_312, %swap3A_313] {strides = array<i32>} : memref<2x26x1000xf32, #tpu.memory_space<vmem>>, vector<16xf32>,
      tpu.vector_store %arg4[%swap3A_311, %swap3A_312, %swap3A_313], %broadcast_in_dim3A_9 {strides = array<i32>} : memref<2x26x1000xf32, #tpu.memory_space<vmem>>, vector<16xf32>,
      %swap3A_315 = arith.constant 0 : i32
      %swap3A_316 = arith.index_cast %swap3A_315 : i32 to index
      %swap3A_317 = arith.index_cast %add3A_25 : i32 to index
      %swap3A_318 = arith.constant 928 : index
      %swap3A_319 = tpu.vector_load %arg4[%swap3A_316, %swap3A_317, %swap3A_318] {strides = array<i32>} : memref<2x26x1000xf32, #tpu.memory_space<vmem>>, vector<16xf32>,
      tpu.vector_store %arg4[%swap3A_316, %swap3A_317, %swap3A_318], %broadcast_in_dim3A_9 {strides = array<i32>} : memref<2x26x1000xf32, #tpu.memory_space<vmem>>, vector<16xf32>,
      %swap3A_320 = arith.constant 0 : i32
      %swap3A_321 = arith.index_cast %swap3A_320 : i32 to index
      %swap3A_322 = arith.index_cast %add3A_25 : i32 to index
      %swap3A_323 = arith.constant 944 : index
      %swap3A_324 = tpu.vector_load %arg4[%swap3A_321, %swap3A_322, %swap3A_323] {strides = array<i32>} : memref<2x26x1000xf32, #tpu.memory_space<vmem>>, vector<16xf32>,
      tpu.vector_store %arg4[%swap3A_321, %swap3A_322, %swap3A_323], %broadcast_in_dim3A_9 {strides = array<i32>} : memref<2x26x1000xf32, #tpu.memory_space<vmem>>, vector<16xf32>,
      %swap3A_325 = arith.constant 0 : i32
      %swap3A_326 = arith.index_cast %swap3A_325 : i32 to index
      %swap3A_327 = arith.index_cast %add3A_25 : i32 to index
      %swap3A_328 = arith.constant 960 : index
      %swap3A_329 = tpu.vector_load %arg4[%swap3A_326, %swap3A_327, %swap3A_328] {strides = array<i32>} : memref<2x26x1000xf32, #tpu.memory_space<vmem>>, vector<16xf32>,
      tpu.vector_store %arg4[%swap3A_326, %swap3A_327, %swap3A_328], %broadcast_in_dim3A_9 {strides = array<i32>} : memref<2x26x1000xf32, #tpu.memory_space<vmem>>, vector<16xf32>,
      %swap3A_330 = arith.constant 0 : i32
      %swap3A_331 = arith.index_cast %swap3A_330 : i32 to index
      %swap3A_332 = arith.index_cast %add3A_25 : i32 to index
      %swap3A_333 = arith.constant 976 : index
      %swap3A_334 = tpu.vector_load %arg4[%swap3A_331, %swap3A_332, %swap3A_333] {strides = array<i32>} : memref<2x26x1000xf32, #tpu.memory_space<vmem>>, vector<16xf32>,
      tpu.vector_store %arg4[%swap3A_331, %swap3A_332, %swap3A_333], %broadcast_in_dim3A_9 {strides = array<i32>} : memref<2x26x1000xf32, #tpu.memory_space<vmem>>, vector<16xf32>,
      %swap3A_335 = arith.constant 0 : i32
      %swap3A_336 = arith.index_cast %swap3A_335 : i32 to index
      %swap3A_337 = arith.index_cast %add3A_25 : i32 to index
      %swap3A_338 = arith.constant 984 : index
      %swap3A_339 = tpu.vector_load %arg4[%swap3A_336, %swap3A_337, %swap3A_338] {strides = array<i32>} : memref<2x26x1000xf32, #tpu.memory_space<vmem>>, vector<16xf32>,
      tpu.vector_store %arg4[%swap3A_336, %swap3A_337, %swap3A_338], %broadcast_in_dim3A_9 {strides = array<i32>} : memref<2x26x1000xf32, #tpu.memory_space<vmem>>, vector<16xf32>,
      %swap3A_340 = arith.constant 1 : i32
      %swap3A_341 = arith.index_cast %swap3A_340 : i32 to index
      %swap3A_342 = arith.index_cast %add3A_25 : i32 to index
      %swap3A_343 = arith.constant 0 : index
      %swap3A_344 = tpu.vector_load %arg4[%swap3A_341, %swap3A_342, %swap3A_343] {strides = array<i32>} : memref<2x26x1000xf32, #tpu.memory_space<vmem>>, vector<16xf32>,
      tpu.vector_store %arg4[%swap3A_341, %swap3A_342, %swap3A_343], %broadcast_in_dim3A_9 {strides = array<i32>} : memref<2x26x1000xf32, #tpu.memory_space<vmem>>, vector<16xf32>,
      %swap3A_345 = arith.constant 1 : i32
      %swap3A_346 = arith.index_cast %swap3A_345 : i32 to index
      %swap3A_347 = arith.index_cast %add3A_25 : i32 to index
      %swap3A_348 = arith.constant 16 : index
      %swap3A_349 = tpu.vector_load %arg4[%swap3A_346, %swap3A_347, %swap3A_348] {strides = array<i32>} : memref<2x26x1000xf32, #tpu.memory_space<vmem>>, vector<16xf32>,
      tpu.vector_store %arg4[%swap3A_346, %swap3A_347, %swap3A_348], %broadcast_in_dim3A_9 {strides = array<i32>} : memref<2x26x1000xf32, #tpu.memory_space<vmem>>, vector<16xf32>,
      %swap3A_350 = arith.constant 1 : i32
      %swap3A_351 = arith.index_cast %swap3A_350 : i32 to index
      %swap3A_352 = arith.index_cast %add3A_25 : i32 to index
      %swap3A_353 = arith.constant 32 : index
      %swap3A_354 = tpu.vector_load %arg4[%swap3A_351, %swap3A_352, %swap3A_353] {strides = array<i32>} : memref<2x26x1000xf32, #tpu.memory_space<vmem>>, vector<16xf32>,
      tpu.vector_store %arg4[%swap3A_351, %swap3A_352, %swap3A_353], %broadcast_in_dim3A_9 {strides = array<i32>} : memref<2x26x1000xf32, #tpu.memory_space<vmem>>, vector<16xf32>,
      %swap3A_355 = arith.constant 1 : i32
      %swap3A_356 = arith.index_cast %swap3A_355 : i32 to index
      %swap3A_357 = arith.index_cast %add3A_25 : i32 to index
      %swap3A_358 = arith.constant 48 : index
      %swap3A_359 = tpu.vector_load %arg4[%swap3A_356, %swap3A_357, %swap3A_358] {strides = array<i32>} : memref<2x26x1000xf32, #tpu.memory_space<vmem>>, vector<16xf32>,
      tpu.vector_store %arg4[%swap3A_356, %swap3A_357, %swap3A_358], %broadcast_in_dim3A_9 {strides = array<i32>} : memref<2x26x1000xf32, #tpu.memory_space<vmem>>, vector<16xf32>,
      %swap3A_360 = arith.constant 1 : i32
      %swap3A_361 = arith.index_cast %swap3A_360 : i32 to index
      %swap3A_362 = arith.index_cast %add3A_25 : i32 to index
      %swap3A_363 = arith.constant 64 : index
      %swap3A_364 = tpu.vector_load %arg4[%swap3A_361, %swap3A_362, %swap3A_363] {strides = array<i32>} : memref<2x26x1000xf32, #tpu.memory_space<vmem>>, vector<16xf32>,
      tpu.vector_store %arg4[%swap3A_361, %swap3A_362, %swap3A_363], %broadcast_in_dim3A_9 {strides = array<i32>} : memref<2x26x1000xf32, #tpu.memory_space<vmem>>, vector<16xf32>,
      %swap3A_365 = arith.constant 1 : i32
      %swap3A_366 = arith.index_cast %swap3A_365 : i32 to index
      %swap3A_367 = arith.index_cast %add3A_25 : i32 to index
      %swap3A_368 = arith.constant 80 : index
      %swap3A_369 = tpu.vector_load %arg4[%swap3A_366, %swap3A_367, %swap3A_368] {strides = array<i32>} : memref<2x26x1000xf32, #tpu.memory_space<vmem>>, vector<16xf32>,
      tpu.vector_store %arg4[%swap3A_366, %swap3A_367, %swap3A_368], %broadcast_in_dim3A_9 {strides = array<i32>} : memref<2x26x1000xf32, #tpu.memory_space<vmem>>, vector<16xf32>,
      %swap3A_370 = arith.constant 1 : i32
      %swap3A_371 = arith.index_cast %swap3A_370 : i32 to index
      %swap3A_372 = arith.index_cast %add3A_25 : i32 to index
      %swap3A_373 = arith.constant 96 : index
      %swap3A_374 = tpu.vector_load %arg4[%swap3A_371, %swap3A_372, %swap3A_373] {strides = array<i32>} : memref<2x26x1000xf32, #tpu.memory_space<vmem>>, vector<16xf32>,
      tpu.vector_store %arg4[%swap3A_371, %swap3A_372, %swap3A_373], %broadcast_in_dim3A_9 {strides = array<i32>} : memref<2x26x1000xf32, #tpu.memory_space<vmem>>, vector<16xf32>,
      %swap3A_375 = arith.constant 1 : i32
      %swap3A_376 = arith.index_cast %swap3A_375 : i32 to index
      %swap3A_377 = arith.index_cast %add3A_25 : i32 to index
      %swap3A_378 = arith.constant 112 : index
      %swap3A_379 = tpu.vector_load %arg4[%swap3A_376, %swap3A_377, %swap3A_378] {strides = array<i32>} : memref<2x26x1000xf32, #tpu.memory_space<vmem>>, vector<16xf32>,
      tpu.vector_store %arg4[%swap3A_376, %swap3A_377, %swap3A_378], %broadcast_in_dim3A_9 {strides = array<i32>} : memref<2x26x1000xf32, #tpu.memory_space<vmem>>, vector<16xf32>,
      %swap3A_380 = arith.constant 1 : i32
      %swap3A_381 = arith.index_cast %swap3A_380 : i32 to index
      %swap3A_382 = arith.index_cast %add3A_25 : i32 to index
      %swap3A_383 = arith.constant 128 : index
      %swap3A_384 = tpu.vector_load %arg4[%swap3A_381, %swap3A_382, %swap3A_383] {strides = array<i32>} : memref<2x26x1000xf32, #tpu.memory_space<vmem>>, vector<16xf32>,
      tpu.vector_store %arg4[%swap3A_381, %swap3A_382, %swap3A_383], %broadcast_in_dim3A_9 {strides = array<i32>} : memref<2x26x1000xf32, #tpu.memory_space<vmem>>, vector<16xf32>,
      %swap3A_385 = arith.constant 1 : i32
      %swap3A_386 = arith.index_cast %swap3A_385 : i32 to index
      %swap3A_387 = arith.index_cast %add3A_25 : i32 to index
      %swap3A_388 = arith.constant 144 : index
      %swap3A_389 = tpu.vector_load %arg4[%swap3A_386, %swap3A_387, %swap3A_388] {strides = array<i32>} : memref<2x26x1000xf32, #tpu.memory_space<vmem>>, vector<16xf32>,
      tpu.vector_store %arg4[%swap3A_386, %swap3A_387, %swap3A_388], %broadcast_in_dim3A_9 {strides = array<i32>} : memref<2x26x1000xf32, #tpu.memory_space<vmem>>, vector<16xf32>,
      %swap3A_390 = arith.constant 1 : i32
      %swap3A_391 = arith.index_cast %swap3A_390 : i32 to index
      %swap3A_392 = arith.index_cast %add3A_25 : i32 to index
      %swap3A_393 = arith.constant 160 : index
      %swap3A_394 = tpu.vector_load %arg4[%swap3A_391, %swap3A_392, %swap3A_393] {strides = array<i32>} : memref<2x26x1000xf32, #tpu.memory_space<vmem>>, vector<16xf32>,
      tpu.vector_store %arg4[%swap3A_391, %swap3A_392, %swap3A_393], %broadcast_in_dim3A_9 {strides = array<i32>} : memref<2x26x1000xf32, #tpu.memory_space<vmem>>, vector<16xf32>,
      %swap3A_395 = arith.constant 1 : i32
      %swap3A_396 = arith.index_cast %swap3A_395 : i32 to index
      %swap3A_397 = arith.index_cast %add3A_25 : i32 to index
      %swap3A_398 = arith.constant 176 : index
      %swap3A_399 = tpu.vector_load %arg4[%swap3A_396, %swap3A_397, %swap3A_398] {strides = array<i32>} : memref<2x26x1000xf32, #tpu.memory_space<vmem>>, vector<16xf32>,
      tpu.vector_store %arg4[%swap3A_396, %swap3A_397, %swap3A_398], %broadcast_in_dim3A_9 {strides = array<i32>} : memref<2x26x1000xf32, #tpu.memory_space<vmem>>, vector<16xf32>,
      %swap3A_400 = arith.constant 1 : i32
      %swap3A_401 = arith.index_cast %swap3A_400 : i32 to index
      %swap3A_402 = arith.index_cast %add3A_25 : i32 to index
      %swap3A_403 = arith.constant 192 : index
      %swap3A_404 = tpu.vector_load %arg4[%swap3A_401, %swap3A_402, %swap3A_403] {strides = array<i32>} : memref<2x26x1000xf32, #tpu.memory_space<vmem>>, vector<16xf32>,
      tpu.vector_store %arg4[%swap3A_401, %swap3A_402, %swap3A_403], %broadcast_in_dim3A_9 {strides = array<i32>} : memref<2x26x1000xf32, #tpu.memory_space<vmem>>, vector<16xf32>,
      %swap3A_405 = arith.constant 1 : i32
      %swap3A_406 = arith.index_cast %swap3A_405 : i32 to index
      %swap3A_407 = arith.index_cast %add3A_25 : i32 to index
      %swap3A_408 = arith.constant 208 : index
      %swap3A_409 = tpu.vector_load %arg4[%swap3A_406, %swap3A_407, %swap3A_408] {strides = array<i32>} : memref<2x26x1000xf32, #tpu.memory_space<vmem>>, vector<16xf32>,
      tpu.vector_store %arg4[%swap3A_406, %swap3A_407, %swap3A_408], %broadcast_in_dim3A_9 {strides = array<i32>} : memref<2x26x1000xf32, #tpu.memory_space<vmem>>, vector<16xf32>,
      %swap3A_410 = arith.constant 1 : i32
      %swap3A_411 = arith.index_cast %swap3A_410 : i32 to index
      %swap3A_412 = arith.index_cast %add3A_25 : i32 to index
      %swap3A_413 = arith.constant 224 : index
      %swap3A_414 = tpu.vector_load %arg4[%swap3A_411, %swap3A_412, %swap3A_413] {strides = array<i32>} : memref<2x26x1000xf32, #tpu.memory_space<vmem>>, vector<16xf32>,
      tpu.vector_store %arg4[%swap3A_411, %swap3A_412, %swap3A_413], %broadcast_in_dim3A_9 {strides = array<i32>} : memref<2x26x1000xf32, #tpu.memory_space<vmem>>, vector<16xf32>,
      %swap3A_415 = arith.constant 1 : i32
      %swap3A_416 = arith.index_cast %swap3A_415 : i32 to index
      %swap3A_417 = arith.index_cast %add3A_25 : i32 to index
      %swap3A_418 = arith.constant 240 : index
      %swap3A_419 = tpu.vector_load %arg4[%swap3A_416, %swap3A_417, %swap3A_418] {strides = array<i32>} : memref<2x26x1000xf32, #tpu.memory_space<vmem>>, vector<16xf32>,
      tpu.vector_store %arg4[%swap3A_416, %swap3A_417, %swap3A_418], %broadcast_in_dim3A_9 {strides = array<i32>} : memref<2x26x1000xf32, #tpu.memory_space<vmem>>, vector<16xf32>,
      %swap3A_420 = arith.constant 1 : i32
      %swap3A_421 = arith.index_cast %swap3A_420 : i32 to index
      %swap3A_422 = arith.index_cast %add3A_25 : i32 to index
      %swap3A_423 = arith.constant 256 : index
      %swap3A_424 = tpu.vector_load %arg4[%swap3A_421, %swap3A_422, %swap3A_423] {strides = array<i32>} : memref<2x26x1000xf32, #tpu.memory_space<vmem>>, vector<16xf32>,
      tpu.vector_store %arg4[%swap3A_421, %swap3A_422, %swap3A_423], %broadcast_in_dim3A_9 {strides = array<i32>} : memref<2x26x1000xf32, #tpu.memory_space<vmem>>, vector<16xf32>,
      %swap3A_425 = arith.constant 1 : i32
      %swap3A_426 = arith.index_cast %swap3A_425 : i32 to index
      %swap3A_427 = arith.index_cast %add3A_25 : i32 to index
      %swap3A_428 = arith.constant 272 : index
      %swap3A_429 = tpu.vector_load %arg4[%swap3A_426, %swap3A_427, %swap3A_428] {strides = array<i32>} : memref<2x26x1000xf32, #tpu.memory_space<vmem>>, vector<16xf32>,
      tpu.vector_store %arg4[%swap3A_426, %swap3A_427, %swap3A_428], %broadcast_in_dim3A_9 {strides = array<i32>} : memref<2x26x1000xf32, #tpu.memory_space<vmem>>, vector<16xf32>,
      %swap3A_430 = arith.constant 1 : i32
      %swap3A_431 = arith.index_cast %swap3A_430 : i32 to index
      %swap3A_432 = arith.index_cast %add3A_25 : i32 to index
      %swap3A_433 = arith.constant 288 : index
      %swap3A_434 = tpu.vector_load %arg4[%swap3A_431, %swap3A_432, %swap3A_433] {strides = array<i32>} : memref<2x26x1000xf32, #tpu.memory_space<vmem>>, vector<16xf32>,
      tpu.vector_store %arg4[%swap3A_431, %swap3A_432, %swap3A_433], %broadcast_in_dim3A_9 {strides = array<i32>} : memref<2x26x1000xf32, #tpu.memory_space<vmem>>, vector<16xf32>,
      %swap3A_435 = arith.constant 1 : i32
      %swap3A_436 = arith.index_cast %swap3A_435 : i32 to index
      %swap3A_437 = arith.index_cast %add3A_25 : i32 to index
      %swap3A_438 = arith.constant 304 : index
      %swap3A_439 = tpu.vector_load %arg4[%swap3A_436, %swap3A_437, %swap3A_438] {strides = array<i32>} : memref<2x26x1000xf32, #tpu.memory_space<vmem>>, vector<16xf32>,
      tpu.vector_store %arg4[%swap3A_436, %swap3A_437, %swap3A_438], %broadcast_in_dim3A_9 {strides = array<i32>} : memref<2x26x1000xf32, #tpu.memory_space<vmem>>, vector<16xf32>,
      %swap3A_440 = arith.constant 1 : i32
      %swap3A_441 = arith.index_cast %swap3A_440 : i32 to index
      %swap3A_442 = arith.index_cast %add3A_25 : i32 to index
      %swap3A_443 = arith.constant 320 : index
      %swap3A_444 = tpu.vector_load %arg4[%swap3A_441, %swap3A_442, %swap3A_443] {strides = array<i32>} : memref<2x26x1000xf32, #tpu.memory_space<vmem>>, vector<16xf32>,
      tpu.vector_store %arg4[%swap3A_441, %swap3A_442, %swap3A_443], %broadcast_in_dim3A_9 {strides = array<i32>} : memref<2x26x1000xf32, #tpu.memory_space<vmem>>, vector<16xf32>,
      %swap3A_445 = arith.constant 1 : i32
      %swap3A_446 = arith.index_cast %swap3A_445 : i32 to index
      %swap3A_447 = arith.index_cast %add3A_25 : i32 to index
      %swap3A_448 = arith.constant 336 : index
      %swap3A_449 = tpu.vector_load %arg4[%swap3A_446, %swap3A_447, %swap3A_448] {strides = array<i32>} : memref<2x26x1000xf32, #tpu.memory_space<vmem>>, vector<16xf32>,
      tpu.vector_store %arg4[%swap3A_446, %swap3A_447, %swap3A_448], %broadcast_in_dim3A_9 {strides = array<i32>} : memref<2x26x1000xf32, #tpu.memory_space<vmem>>, vector<16xf32>,
      %swap3A_450 = arith.constant 1 : i32
      %swap3A_451 = arith.index_cast %swap3A_450 : i32 to index
      %swap3A_452 = arith.index_cast %add3A_25 : i32 to index
      %swap3A_453 = arith.constant 352 : index
      %swap3A_454 = tpu.vector_load %arg4[%swap3A_451, %swap3A_452, %swap3A_453] {strides = array<i32>} : memref<2x26x1000xf32, #tpu.memory_space<vmem>>, vector<16xf32>,
      tpu.vector_store %arg4[%swap3A_451, %swap3A_452, %swap3A_453], %broadcast_in_dim3A_9 {strides = array<i32>} : memref<2x26x1000xf32, #tpu.memory_space<vmem>>, vector<16xf32>,
      %swap3A_455 = arith.constant 1 : i32
      %swap3A_456 = arith.index_cast %swap3A_455 : i32 to index
      %swap3A_457 = arith.index_cast %add3A_25 : i32 to index
      %swap3A_458 = arith.constant 368 : index
      %swap3A_459 = tpu.vector_load %arg4[%swap3A_456, %swap3A_457, %swap3A_458] {strides = array<i32>} : memref<2x26x1000xf32, #tpu.memory_space<vmem>>, vector<16xf32>,
      tpu.vector_store %arg4[%swap3A_456, %swap3A_457, %swap3A_458], %broadcast_in_dim3A_9 {strides = array<i32>} : memref<2x26x1000xf32, #tpu.memory_space<vmem>>, vector<16xf32>,
      %swap3A_460 = arith.constant 1 : i32
      %swap3A_461 = arith.index_cast %swap3A_460 : i32 to index
      %swap3A_462 = arith.index_cast %add3A_25 : i32 to index
      %swap3A_463 = arith.constant 384 : index
      %swap3A_464 = tpu.vector_load %arg4[%swap3A_461, %swap3A_462, %swap3A_463] {strides = array<i32>} : memref<2x26x1000xf32, #tpu.memory_space<vmem>>, vector<16xf32>,
      tpu.vector_store %arg4[%swap3A_461, %swap3A_462, %swap3A_463], %broadcast_in_dim3A_9 {strides = array<i32>} : memref<2x26x1000xf32, #tpu.memory_space<vmem>>, vector<16xf32>,
      %swap3A_465 = arith.constant 1 : i32
      %swap3A_466 = arith.index_cast %swap3A_465 : i32 to index
      %swap3A_467 = arith.index_cast %add3A_25 : i32 to index
      %swap3A_468 = arith.constant 400 : index
      %swap3A_469 = tpu.vector_load %arg4[%swap3A_466, %swap3A_467, %swap3A_468] {strides = array<i32>} : memref<2x26x1000xf32, #tpu.memory_space<vmem>>, vector<16xf32>,
      tpu.vector_store %arg4[%swap3A_466, %swap3A_467, %swap3A_468], %broadcast_in_dim3A_9 {strides = array<i32>} : memref<2x26x1000xf32, #tpu.memory_space<vmem>>, vector<16xf32>,
      %swap3A_470 = arith.constant 1 : i32
      %swap3A_471 = arith.index_cast %swap3A_470 : i32 to index
      %swap3A_472 = arith.index_cast %add3A_25 : i32 to index
      %swap3A_473 = arith.constant 416 : index
      %swap3A_474 = tpu.vector_load %arg4[%swap3A_471, %swap3A_472, %swap3A_473] {strides = array<i32>} : memref<2x26x1000xf32, #tpu.memory_space<vmem>>, vector<16xf32>,
      tpu.vector_store %arg4[%swap3A_471, %swap3A_472, %swap3A_473], %broadcast_in_dim3A_9 {strides = array<i32>} : memref<2x26x1000xf32, #tpu.memory_space<vmem>>, vector<16xf32>,
      %swap3A_475 = arith.constant 1 : i32
      %swap3A_476 = arith.index_cast %swap3A_475 : i32 to index
      %swap3A_477 = arith.index_cast %add3A_25 : i32 to index
      %swap3A_478 = arith.constant 432 : index
      %swap3A_479 = tpu.vector_load %arg4[%swap3A_476, %swap3A_477, %swap3A_478] {strides = array<i32>} : memref<2x26x1000xf32, #tpu.memory_space<vmem>>, vector<16xf32>,
      tpu.vector_store %arg4[%swap3A_476, %swap3A_477, %swap3A_478], %broadcast_in_dim3A_9 {strides = array<i32>} : memref<2x26x1000xf32, #tpu.memory_space<vmem>>, vector<16xf32>,
      %swap3A_480 = arith.constant 1 : i32
      %swap3A_481 = arith.index_cast %swap3A_480 : i32 to index
      %swap3A_482 = arith.index_cast %add3A_25 : i32 to index
      %swap3A_483 = arith.constant 448 : index
      %swap3A_484 = tpu.vector_load %arg4[%swap3A_481, %swap3A_482, %swap3A_483] {strides = array<i32>} : memref<2x26x1000xf32, #tpu.memory_space<vmem>>, vector<16xf32>,
      tpu.vector_store %arg4[%swap3A_481, %swap3A_482, %swap3A_483], %broadcast_in_dim3A_9 {strides = array<i32>} : memref<2x26x1000xf32, #tpu.memory_space<vmem>>, vector<16xf32>,
      %swap3A_485 = arith.constant 1 : i32
      %swap3A_486 = arith.index_cast %swap3A_485 : i32 to index
      %swap3A_487 = arith.index_cast %add3A_25 : i32 to index
      %swap3A_488 = arith.constant 464 : index
      %swap3A_489 = tpu.vector_load %arg4[%swap3A_486, %swap3A_487, %swap3A_488] {strides = array<i32>} : memref<2x26x1000xf32, #tpu.memory_space<vmem>>, vector<16xf32>,
      tpu.vector_store %arg4[%swap3A_486, %swap3A_487, %swap3A_488], %broadcast_in_dim3A_9 {strides = array<i32>} : memref<2x26x1000xf32, #tpu.memory_space<vmem>>, vector<16xf32>,
      %swap3A_490 = arith.constant 1 : i32
      %swap3A_491 = arith.index_cast %swap3A_490 : i32 to index
      %swap3A_492 = arith.index_cast %add3A_25 : i32 to index
      %swap3A_493 = arith.constant 480 : index
      %swap3A_494 = tpu.vector_load %arg4[%swap3A_491, %swap3A_492, %swap3A_493] {strides = array<i32>} : memref<2x26x1000xf32, #tpu.memory_space<vmem>>, vector<16xf32>,
      tpu.vector_store %arg4[%swap3A_491, %swap3A_492, %swap3A_493], %broadcast_in_dim3A_9 {strides = array<i32>} : memref<2x26x1000xf32, #tpu.memory_space<vmem>>, vector<16xf32>,
      %swap3A_495 = arith.constant 1 : i32
      %swap3A_496 = arith.index_cast %swap3A_495 : i32 to index
      %swap3A_497 = arith.index_cast %add3A_25 : i32 to index
      %swap3A_498 = arith.constant 496 : index
      %swap3A_499 = tpu.vector_load %arg4[%swap3A_496, %swap3A_497, %swap3A_498] {strides = array<i32>} : memref<2x26x1000xf32, #tpu.memory_space<vmem>>, vector<16xf32>,
      tpu.vector_store %arg4[%swap3A_496, %swap3A_497, %swap3A_498], %broadcast_in_dim3A_9 {strides = array<i32>} : memref<2x26x1000xf32, #tpu.memory_space<vmem>>, vector<16xf32>,
      %swap3A_500 = arith.constant 1 : i32
      %swap3A_501 = arith.index_cast %swap3A_500 : i32 to index
      %swap3A_502 = arith.index_cast %add3A_25 : i32 to index
      %swap3A_503 = arith.constant 512 : index
      %swap3A_504 = tpu.vector_load %arg4[%swap3A_501, %swap3A_502, %swap3A_503] {strides = array<i32>} : memref<2x26x1000xf32, #tpu.memory_space<vmem>>, vector<16xf32>,
      tpu.vector_store %arg4[%swap3A_501, %swap3A_502, %swap3A_503], %broadcast_in_dim3A_9 {strides = array<i32>} : memref<2x26x1000xf32, #tpu.memory_space<vmem>>, vector<16xf32>,
      %swap3A_505 = arith.constant 1 : i32
      %swap3A_506 = arith.index_cast %swap3A_505 : i32 to index
      %swap3A_507 = arith.index_cast %add3A_25 : i32 to index
      %swap3A_508 = arith.constant 528 : index
      %swap3A_509 = tpu.vector_load %arg4[%swap3A_506, %swap3A_507, %swap3A_508] {strides = array<i32>} : memref<2x26x1000xf32, #tpu.memory_space<vmem>>, vector<16xf32>,
      tpu.vector_store %arg4[%swap3A_506, %swap3A_507, %swap3A_508], %broadcast_in_dim3A_9 {strides = array<i32>} : memref<2x26x1000xf32, #tpu.memory_space<vmem>>, vector<16xf32>,
      %swap3A_510 = arith.constant 1 : i32
      %swap3A_511 = arith.index_cast %swap3A_510 : i32 to index
      %swap3A_512 = arith.index_cast %add3A_25 : i32 to index
      %swap3A_513 = arith.constant 544 : index
      %swap3A_514 = tpu.vector_load %arg4[%swap3A_511, %swap3A_512, %swap3A_513] {strides = array<i32>} : memref<2x26x1000xf32, #tpu.memory_space<vmem>>, vector<16xf32>,
      tpu.vector_store %arg4[%swap3A_511, %swap3A_512, %swap3A_513], %broadcast_in_dim3A_9 {strides = array<i32>} : memref<2x26x1000xf32, #tpu.memory_space<vmem>>, vector<16xf32>,
      %swap3A_515 = arith.constant 1 : i32
      %swap3A_516 = arith.index_cast %swap3A_515 : i32 to index
      %swap3A_517 = arith.index_cast %add3A_25 : i32 to index
      %swap3A_518 = arith.constant 560 : index
      %swap3A_519 = tpu.vector_load %arg4[%swap3A_516, %swap3A_517, %swap3A_518] {strides = array<i32>} : memref<2x26x1000xf32, #tpu.memory_space<vmem>>, vector<16xf32>,
      tpu.vector_store %arg4[%swap3A_516, %swap3A_517, %swap3A_518], %broadcast_in_dim3A_9 {strides = array<i32>} : memref<2x26x1000xf32, #tpu.memory_space<vmem>>, vector<16xf32>,
      %swap3A_520 = arith.constant 1 : i32
      %swap3A_521 = arith.index_cast %swap3A_520 : i32 to index
      %swap3A_522 = arith.index_cast %add3A_25 : i32 to index
      %swap3A_523 = arith.constant 576 : index
      %swap3A_524 = tpu.vector_load %arg4[%swap3A_521, %swap3A_522, %swap3A_523] {strides = array<i32>} : memref<2x26x1000xf32, #tpu.memory_space<vmem>>, vector<16xf32>,
      tpu.vector_store %arg4[%swap3A_521, %swap3A_522, %swap3A_523], %broadcast_in_dim3A_9 {strides = array<i32>} : memref<2x26x1000xf32, #tpu.memory_space<vmem>>, vector<16xf32>,
      %swap3A_525 = arith.constant 1 : i32
      %swap3A_526 = arith.index_cast %swap3A_525 : i32 to index
      %swap3A_527 = arith.index_cast %add3A_25 : i32 to index
      %swap3A_528 = arith.constant 592 : index
      %swap3A_529 = tpu.vector_load %arg4[%swap3A_526, %swap3A_527, %swap3A_528] {strides = array<i32>} : memref<2x26x1000xf32, #tpu.memory_space<vmem>>, vector<16xf32>,
      tpu.vector_store %arg4[%swap3A_526, %swap3A_527, %swap3A_528], %broadcast_in_dim3A_9 {strides = array<i32>} : memref<2x26x1000xf32, #tpu.memory_space<vmem>>, vector<16xf32>,
      %swap3A_530 = arith.constant 1 : i32
      %swap3A_531 = arith.index_cast %swap3A_530 : i32 to index
      %swap3A_532 = arith.index_cast %add3A_25 : i32 to index
      %swap3A_533 = arith.constant 608 : index
      %swap3A_534 = tpu.vector_load %arg4[%swap3A_531, %swap3A_532, %swap3A_533] {strides = array<i32>} : memref<2x26x1000xf32, #tpu.memory_space<vmem>>, vector<16xf32>,
      tpu.vector_store %arg4[%swap3A_531, %swap3A_532, %swap3A_533], %broadcast_in_dim3A_9 {strides = array<i32>} : memref<2x26x1000xf32, #tpu.memory_space<vmem>>, vector<16xf32>,
      %swap3A_535 = arith.constant 1 : i32
      %swap3A_536 = arith.index_cast %swap3A_535 : i32 to index
      %swap3A_537 = arith.index_cast %add3A_25 : i32 to index
      %swap3A_538 = arith.constant 624 : index
      %swap3A_539 = tpu.vector_load %arg4[%swap3A_536, %swap3A_537, %swap3A_538] {strides = array<i32>} : memref<2x26x1000xf32, #tpu.memory_space<vmem>>, vector<16xf32>,
      tpu.vector_store %arg4[%swap3A_536, %swap3A_537, %swap3A_538], %broadcast_in_dim3A_9 {strides = array<i32>} : memref<2x26x1000xf32, #tpu.memory_space<vmem>>, vector<16xf32>,
      %swap3A_540 = arith.constant 1 : i32
      %swap3A_541 = arith.index_cast %swap3A_540 : i32 to index
      %swap3A_542 = arith.index_cast %add3A_25 : i32 to index
      %swap3A_543 = arith.constant 640 : index
      %swap3A_544 = tpu.vector_load %arg4[%swap3A_541, %swap3A_542, %swap3A_543] {strides = array<i32>} : memref<2x26x1000xf32, #tpu.memory_space<vmem>>, vector<16xf32>,
      tpu.vector_store %arg4[%swap3A_541, %swap3A_542, %swap3A_543], %broadcast_in_dim3A_9 {strides = array<i32>} : memref<2x26x1000xf32, #tpu.memory_space<vmem>>, vector<16xf32>,
      %swap3A_545 = arith.constant 1 : i32
      %swap3A_546 = arith.index_cast %swap3A_545 : i32 to index
      %swap3A_547 = arith.index_cast %add3A_25 : i32 to index
      %swap3A_548 = arith.constant 656 : index
      %swap3A_549 = tpu.vector_load %arg4[%swap3A_546, %swap3A_547, %swap3A_548] {strides = array<i32>} : memref<2x26x1000xf32, #tpu.memory_space<vmem>>, vector<16xf32>,
      tpu.vector_store %arg4[%swap3A_546, %swap3A_547, %swap3A_548], %broadcast_in_dim3A_9 {strides = array<i32>} : memref<2x26x1000xf32, #tpu.memory_space<vmem>>, vector<16xf32>,
      %swap3A_550 = arith.constant 1 : i32
      %swap3A_551 = arith.index_cast %swap3A_550 : i32 to index
      %swap3A_552 = arith.index_cast %add3A_25 : i32 to index
      %swap3A_553 = arith.constant 672 : index
      %swap3A_554 = tpu.vector_load %arg4[%swap3A_551, %swap3A_552, %swap3A_553] {strides = array<i32>} : memref<2x26x1000xf32, #tpu.memory_space<vmem>>, vector<16xf32>,
      tpu.vector_store %arg4[%swap3A_551, %swap3A_552, %swap3A_553], %broadcast_in_dim3A_9 {strides = array<i32>} : memref<2x26x1000xf32, #tpu.memory_space<vmem>>, vector<16xf32>,
      %swap3A_555 = arith.constant 1 : i32
      %swap3A_556 = arith.index_cast %swap3A_555 : i32 to index
      %swap3A_557 = arith.index_cast %add3A_25 : i32 to index
      %swap3A_558 = arith.constant 688 : index
      %swap3A_559 = tpu.vector_load %arg4[%swap3A_556, %swap3A_557, %swap3A_558] {strides = array<i32>} : memref<2x26x1000xf32, #tpu.memory_space<vmem>>, vector<16xf32>,
      tpu.vector_store %arg4[%swap3A_556, %swap3A_557, %swap3A_558], %broadcast_in_dim3A_9 {strides = array<i32>} : memref<2x26x1000xf32, #tpu.memory_space<vmem>>, vector<16xf32>,
      %swap3A_560 = arith.constant 1 : i32
      %swap3A_561 = arith.index_cast %swap3A_560 : i32 to index
      %swap3A_562 = arith.index_cast %add3A_25 : i32 to index
      %swap3A_563 = arith.constant 704 : index
      %swap3A_564 = tpu.vector_load %arg4[%swap3A_561, %swap3A_562, %swap3A_563] {strides = array<i32>} : memref<2x26x1000xf32, #tpu.memory_space<vmem>>, vector<16xf32>,
      tpu.vector_store %arg4[%swap3A_561, %swap3A_562, %swap3A_563], %broadcast_in_dim3A_9 {strides = array<i32>} : memref<2x26x1000xf32, #tpu.memory_space<vmem>>, vector<16xf32>,
      %swap3A_565 = arith.constant 1 : i32
      %swap3A_566 = arith.index_cast %swap3A_565 : i32 to index
      %swap3A_567 = arith.index_cast %add3A_25 : i32 to index
      %swap3A_568 = arith.constant 720 : index
      %swap3A_569 = tpu.vector_load %arg4[%swap3A_566, %swap3A_567, %swap3A_568] {strides = array<i32>} : memref<2x26x1000xf32, #tpu.memory_space<vmem>>, vector<16xf32>,
      tpu.vector_store %arg4[%swap3A_566, %swap3A_567, %swap3A_568], %broadcast_in_dim3A_9 {strides = array<i32>} : memref<2x26x1000xf32, #tpu.memory_space<vmem>>, vector<16xf32>,
      %swap3A_570 = arith.constant 1 : i32
      %swap3A_571 = arith.index_cast %swap3A_570 : i32 to index
      %swap3A_572 = arith.index_cast %add3A_25 : i32 to index
      %swap3A_573 = arith.constant 736 : index
      %swap3A_574 = tpu.vector_load %arg4[%swap3A_571, %swap3A_572, %swap3A_573] {strides = array<i32>} : memref<2x26x1000xf32, #tpu.memory_space<vmem>>, vector<16xf32>,
      tpu.vector_store %arg4[%swap3A_571, %swap3A_572, %swap3A_573], %broadcast_in_dim3A_9 {strides = array<i32>} : memref<2x26x1000xf32, #tpu.memory_space<vmem>>, vector<16xf32>,
      %swap3A_575 = arith.constant 1 : i32
      %swap3A_576 = arith.index_cast %swap3A_575 : i32 to index
      %swap3A_577 = arith.index_cast %add3A_25 : i32 to index
      %swap3A_578 = arith.constant 752 : index
      %swap3A_579 = tpu.vector_load %arg4[%swap3A_576, %swap3A_577, %swap3A_578] {strides = array<i32>} : memref<2x26x1000xf32, #tpu.memory_space<vmem>>, vector<16xf32>,
      tpu.vector_store %arg4[%swap3A_576, %swap3A_577, %swap3A_578], %broadcast_in_dim3A_9 {strides = array<i32>} : memref<2x26x1000xf32, #tpu.memory_space<vmem>>, vector<16xf32>,
      %swap3A_580 = arith.constant 1 : i32
      %swap3A_581 = arith.index_cast %swap3A_580 : i32 to index
      %swap3A_582 = arith.index_cast %add3A_25 : i32 to index
      %swap3A_583 = arith.constant 768 : index
      %swap3A_584 = tpu.vector_load %arg4[%swap3A_581, %swap3A_582, %swap3A_583] {strides = array<i32>} : memref<2x26x1000xf32, #tpu.memory_space<vmem>>, vector<16xf32>,
      tpu.vector_store %arg4[%swap3A_581, %swap3A_582, %swap3A_583], %broadcast_in_dim3A_9 {strides = array<i32>} : memref<2x26x1000xf32, #tpu.memory_space<vmem>>, vector<16xf32>,
      %swap3A_585 = arith.constant 1 : i32
      %swap3A_586 = arith.index_cast %swap3A_585 : i32 to index
      %swap3A_587 = arith.index_cast %add3A_25 : i32 to index
      %swap3A_588 = arith.constant 784 : index
      %swap3A_589 = tpu.vector_load %arg4[%swap3A_586, %swap3A_587, %swap3A_588] {strides = array<i32>} : memref<2x26x1000xf32, #tpu.memory_space<vmem>>, vector<16xf32>,
      tpu.vector_store %arg4[%swap3A_586, %swap3A_587, %swap3A_588], %broadcast_in_dim3A_9 {strides = array<i32>} : memref<2x26x1000xf32, #tpu.memory_space<vmem>>, vector<16xf32>,
      %swap3A_590 = arith.constant 1 : i32
      %swap3A_591 = arith.index_cast %swap3A_590 : i32 to index
      %swap3A_592 = arith.index_cast %add3A_25 : i32 to index
      %swap3A_593 = arith.constant 800 : index
      %swap3A_594 = tpu.vector_load %arg4[%swap3A_591, %swap3A_592, %swap3A_593] {strides = array<i32>} : memref<2x26x1000xf32, #tpu.memory_space<vmem>>, vector<16xf32>,
      tpu.vector_store %arg4[%swap3A_591, %swap3A_592, %swap3A_593], %broadcast_in_dim3A_9 {strides = array<i32>} : memref<2x26x1000xf32, #tpu.memory_space<vmem>>, vector<16xf32>,
      %swap3A_595 = arith.constant 1 : i32
      %swap3A_596 = arith.index_cast %swap3A_595 : i32 to index
      %swap3A_597 = arith.index_cast %add3A_25 : i32 to index
      %swap3A_598 = arith.constant 816 : index
      %swap3A_599 = tpu.vector_load %arg4[%swap3A_596, %swap3A_597, %swap3A_598] {strides = array<i32>} : memref<2x26x1000xf32, #tpu.memory_space<vmem>>, vector<16xf32>,
      tpu.vector_store %arg4[%swap3A_596, %swap3A_597, %swap3A_598], %broadcast_in_dim3A_9 {strides = array<i32>} : memref<2x26x1000xf32, #tpu.memory_space<vmem>>, vector<16xf32>,
      %swap3A_600 = arith.constant 1 : i32
      %swap3A_601 = arith.index_cast %swap3A_600 : i32 to index
      %swap3A_602 = arith.index_cast %add3A_25 : i32 to index
      %swap3A_603 = arith.constant 832 : index
      %swap3A_604 = tpu.vector_load %arg4[%swap3A_601, %swap3A_602, %swap3A_603] {strides = array<i32>} : memref<2x26x1000xf32, #tpu.memory_space<vmem>>, vector<16xf32>,
      tpu.vector_store %arg4[%swap3A_601, %swap3A_602, %swap3A_603], %broadcast_in_dim3A_9 {strides = array<i32>} : memref<2x26x1000xf32, #tpu.memory_space<vmem>>, vector<16xf32>,
      %swap3A_605 = arith.constant 1 : i32
      %swap3A_606 = arith.index_cast %swap3A_605 : i32 to index
      %swap3A_607 = arith.index_cast %add3A_25 : i32 to index
      %swap3A_608 = arith.constant 848 : index
      %swap3A_609 = tpu.vector_load %arg4[%swap3A_606, %swap3A_607, %swap3A_608] {strides = array<i32>} : memref<2x26x1000xf32, #tpu.memory_space<vmem>>, vector<16xf32>,
      tpu.vector_store %arg4[%swap3A_606, %swap3A_607, %swap3A_608], %broadcast_in_dim3A_9 {strides = array<i32>} : memref<2x26x1000xf32, #tpu.memory_space<vmem>>, vector<16xf32>,
      %swap3A_610 = arith.constant 1 : i32
      %swap3A_611 = arith.index_cast %swap3A_610 : i32 to index
      %swap3A_612 = arith.index_cast %add3A_25 : i32 to index
      %swap3A_613 = arith.constant 864 : index
      %swap3A_614 = tpu.vector_load %arg4[%swap3A_611, %swap3A_612, %swap3A_613] {strides = array<i32>} : memref<2x26x1000xf32, #tpu.memory_space<vmem>>, vector<16xf32>,
      tpu.vector_store %arg4[%swap3A_611, %swap3A_612, %swap3A_613], %broadcast_in_dim3A_9 {strides = array<i32>} : memref<2x26x1000xf32, #tpu.memory_space<vmem>>, vector<16xf32>,
      %swap3A_615 = arith.constant 1 : i32
      %swap3A_616 = arith.index_cast %swap3A_615 : i32 to index
      %swap3A_617 = arith.index_cast %add3A_25 : i32 to index
      %swap3A_618 = arith.constant 880 : index
      %swap3A_619 = tpu.vector_load %arg4[%swap3A_616, %swap3A_617, %swap3A_618] {strides = array<i32>} : memref<2x26x1000xf32, #tpu.memory_space<vmem>>, vector<16xf32>,
      tpu.vector_store %arg4[%swap3A_616, %swap3A_617, %swap3A_618], %broadcast_in_dim3A_9 {strides = array<i32>} : memref<2x26x1000xf32, #tpu.memory_space<vmem>>, vector<16xf32>,
      %swap3A_620 = arith.constant 1 : i32
      %swap3A_621 = arith.index_cast %swap3A_620 : i32 to index
      %swap3A_622 = arith.index_cast %add3A_25 : i32 to index
      %swap3A_623 = arith.constant 896 : index
      %swap3A_624 = tpu.vector_load %arg4[%swap3A_621, %swap3A_622, %swap3A_623] {strides = array<i32>} : memref<2x26x1000xf32, #tpu.memory_space<vmem>>, vector<16xf32>,
      tpu.vector_store %arg4[%swap3A_621, %swap3A_622, %swap3A_623], %broadcast_in_dim3A_9 {strides = array<i32>} : memref<2x26x1000xf32, #tpu.memory_space<vmem>>, vector<16xf32>,
      %swap3A_625 = arith.constant 1 : i32
      %swap3A_626 = arith.index_cast %swap3A_625 : i32 to index
      %swap3A_627 = arith.index_cast %add3A_25 : i32 to index
      %swap3A_628 = arith.constant 912 : index
      %swap3A_629 = tpu.vector_load %arg4[%swap3A_626, %swap3A_627, %swap3A_628] {strides = array<i32>} : memref<2x26x1000xf32, #tpu.memory_space<vmem>>, vector<16xf32>,
      tpu.vector_store %arg4[%swap3A_626, %swap3A_627, %swap3A_628], %broadcast_in_dim3A_9 {strides = array<i32>} : memref<2x26x1000xf32, #tpu.memory_space<vmem>>, vector<16xf32>,
      %swap3A_630 = arith.constant 1 : i32
      %swap3A_631 = arith.index_cast %swap3A_630 : i32 to index
      %swap3A_632 = arith.index_cast %add3A_25 : i32 to index
      %swap3A_633 = arith.constant 928 : index
      %swap3A_634 = tpu.vector_load %arg4[%swap3A_631, %swap3A_632, %swap3A_633] {strides = array<i32>} : memref<2x26x1000xf32, #tpu.memory_space<vmem>>, vector<16xf32>,
      tpu.vector_store %arg4[%swap3A_631, %swap3A_632, %swap3A_633], %broadcast_in_dim3A_9 {strides = array<i32>} : memref<2x26x1000xf32, #tpu.memory_space<vmem>>, vector<16xf32>,
      %swap3A_635 = arith.constant 1 : i32
      %swap3A_636 = arith.index_cast %swap3A_635 : i32 to index
      %swap3A_637 = arith.index_cast %add3A_25 : i32 to index
      %swap3A_638 = arith.constant 944 : index
      %swap3A_639 = tpu.vector_load %arg4[%swap3A_636, %swap3A_637, %swap3A_638] {strides = array<i32>} : memref<2x26x1000xf32, #tpu.memory_space<vmem>>, vector<16xf32>,
      tpu.vector_store %arg4[%swap3A_636, %swap3A_637, %swap3A_638], %broadcast_in_dim3A_9 {strides = array<i32>} : memref<2x26x1000xf32, #tpu.memory_space<vmem>>, vector<16xf32>,
      %swap3A_640 = arith.constant 1 : i32
      %swap3A_641 = arith.index_cast %swap3A_640 : i32 to index
      %swap3A_642 = arith.index_cast %add3A_25 : i32 to index
      %swap3A_643 = arith.constant 960 : index
      %swap3A_644 = tpu.vector_load %arg4[%swap3A_641, %swap3A_642, %swap3A_643] {strides = array<i32>} : memref<2x26x1000xf32, #tpu.memory_space<vmem>>, vector<16xf32>,
      tpu.vector_store %arg4[%swap3A_641, %swap3A_642, %swap3A_643], %broadcast_in_dim3A_9 {strides = array<i32>} : memref<2x26x1000xf32, #tpu.memory_space<vmem>>, vector<16xf32>,
      %swap3A_645 = arith.constant 1 : i32
      %swap3A_646 = arith.index_cast %swap3A_645 : i32 to index
      %swap3A_647 = arith.index_cast %add3A_25 : i32 to index
      %swap3A_648 = arith.constant 976 : index
      %swap3A_649 = tpu.vector_load %arg4[%swap3A_646, %swap3A_647, %swap3A_648] {strides = array<i32>} : memref<2x26x1000xf32, #tpu.memory_space<vmem>>, vector<16xf32>,
      tpu.vector_store %arg4[%swap3A_646, %swap3A_647, %swap3A_648], %broadcast_in_dim3A_9 {strides = array<i32>} : memref<2x26x1000xf32, #tpu.memory_space<vmem>>, vector<16xf32>,
      %swap3A_650 = arith.constant 1 : i32
      %swap3A_651 = arith.index_cast %swap3A_650 : i32 to index
      %swap3A_652 = arith.index_cast %add3A_25 : i32 to index
      %swap3A_653 = arith.constant 984 : index
      %swap3A_654 = tpu.vector_load %arg4[%swap3A_651, %swap3A_652, %swap3A_653] {strides = array<i32>} : memref<2x26x1000xf32, #tpu.memory_space<vmem>>, vector<16xf32>,
      tpu.vector_store %arg4[%swap3A_651, %swap3A_652, %swap3A_653], %broadcast_in_dim3A_9 {strides = array<i32>} : memref<2x26x1000xf32, #tpu.memory_space<vmem>>, vector<16xf32>,
    }
    %scan3A_15 = arith.constant 26 : i32
    %scan3A_16 = arith.constant 0 : i32
    %scan3A_17 = arith.constant 256 : i32
    %scan3A_18 = arith.addi %scan3A_16, %scan3A_17 : i32
    %scan3A_19 = arith.constant 1 : i32
    scf.for %scan3A_21 = %scan3A_16 to %scan3A_18 step %scan3A_19  : i32 {
      %mul3A_22 = arith.constant 1 : i32
      %mul3A_23 = arith.muli %scan3A_21, %mul3A_22 : i32
      %add3A_24 = arith.constant 0 : i32
      %add3A_25 = arith.addi %add3A_24, %mul3A_23 : i32
      %add3A_26 = arith.constant 0 : i32
      %add3A_27 = vector.broadcast %add3A_26 : i32 to vector<16xi32>
      %add3A_28 = arith.addi %iota3A, %add3A_27 : vector<16xi32>
      %lt3A = arith.constant 52 : i32
      %lt3A_29 = vector.broadcast %lt3A : i32 to vector<16xi32>
      %lt3A_30 = arith.cmpi slt, %add3A_28, %lt3A_29 : vector<16xi32>
      %ge3A = arith.constant 26 : i32
      %ge3A_31 = vector.broadcast %ge3A : i32 to vector<16xi32>
      %ge3A_32 = arith.cmpi sge, %add3A_28, %ge3A_31 : vector<16xi32>
      %convert_element_type3A = arith.extui %ge3A_32 : vector<16xi1> to vector<16xi32>
      %mul3A_33 = arith.constant 26 : i32
      %mul3A_34 = vector.broadcast %mul3A_33 : i32 to vector<16xi32>
      %mul3A_35 = arith.muli %mul3A_34, %convert_element_type3A : vector<16xi32>
      %sub3A = arith.subi %add3A_28, %mul3A_35 : vector<16xi32>
      %mul3A_36 = arith.constant 64 : i32
      %mul3A_37 = arith.muli %add3A_25, %mul3A_36 : i32
      %add3A_38 = arith.constant 0 : i32
      %add3A_39 = arith.addi %mul3A_37, %add3A_38 : i32
      %get3A = arith.index_cast %add3A_39 : i32 to index
      %get3A_40 = tpu.vector_load %arg5[%get3A] {strides = array<i32>} : memref<16384xi32, #tpu.memory_space<vmem>>, vector<16xi32>,
      tpu.vector_store_idx %arg4[%convert_element_type3A, %sub3A, %get3A_40], %broadcast_in_dim3A_11 masked %lt3A_30 : memref<2x26x1000xf32, #tpu.memory_space<vmem>>[vector<16xi32>, vector<16xi32>, vector<16xi32>], vector<16xf32>, vector<16xi1>
      %add3A_41 = arith.constant 16 : i32
      %add3A_42 = vector.broadcast %add3A_41 : i32 to vector<16xi32>
      %add3A_43 = arith.addi %iota3A, %add3A_42 : vector<16xi32>
      %lt3A_44 = arith.constant 52 : i32
      %lt3A_45 = vector.broadcast %lt3A_44 : i32 to vector<16xi32>
      %lt3A_46 = arith.cmpi slt, %add3A_43, %lt3A_45 : vector<16xi32>
      %ge3A_47 = arith.constant 26 : i32
      %ge3A_48 = vector.broadcast %ge3A_47 : i32 to vector<16xi32>
      %ge3A_49 = arith.cmpi sge, %add3A_43, %ge3A_48 : vector<16xi32>
      %convert_element_type3A_50 = arith.extui %ge3A_49 : vector<16xi1> to vector<16xi32>
      %mul3A_51 = arith.constant 26 : i32
      %mul3A_52 = vector.broadcast %mul3A_51 : i32 to vector<16xi32>
      %mul3A_53 = arith.muli %mul3A_52, %convert_element_type3A_50 : vector<16xi32>
      %sub3A_54 = arith.subi %add3A_43, %mul3A_53 : vector<16xi32>
      %mul3A_55 = arith.constant 64 : i32
      %mul3A_56 = arith.muli %add3A_25, %mul3A_55 : i32
      %add3A_57 = arith.constant 16 : i32
      %add3A_58 = arith.addi %mul3A_56, %add3A_57 : i32
      %get3A_59 = arith.index_cast %add3A_58 : i32 to index
      %get3A_60 = tpu.vector_load %arg5[%get3A_59] {strides = array<i32>} : memref<16384xi32, #tpu.memory_space<vmem>>, vector<16xi32>,
      tpu.vector_store_idx %arg4[%convert_element_type3A_50, %sub3A_54, %get3A_60], %broadcast_in_dim3A_11 masked %lt3A_46 : memref<2x26x1000xf32, #tpu.memory_space<vmem>>[vector<16xi32>, vector<16xi32>, vector<16xi32>], vector<16xf32>, vector<16xi1>
      %add3A_61 = arith.constant 32 : i32
      %add3A_62 = vector.broadcast %add3A_61 : i32 to vector<16xi32>
      %add3A_63 = arith.addi %iota3A, %add3A_62 : vector<16xi32>
      %lt3A_64 = arith.constant 52 : i32
      %lt3A_65 = vector.broadcast %lt3A_64 : i32 to vector<16xi32>
      %lt3A_66 = arith.cmpi slt, %add3A_63, %lt3A_65 : vector<16xi32>
      %ge3A_67 = arith.constant 26 : i32
      %ge3A_68 = vector.broadcast %ge3A_67 : i32 to vector<16xi32>
      %ge3A_69 = arith.cmpi sge, %add3A_63, %ge3A_68 : vector<16xi32>
      %convert_element_type3A_70 = arith.extui %ge3A_69 : vector<16xi1> to vector<16xi32>
      %mul3A_71 = arith.constant 26 : i32
      %mul3A_72 = vector.broadcast %mul3A_71 : i32 to vector<16xi32>
      %mul3A_73 = arith.muli %mul3A_72, %convert_element_type3A_70 : vector<16xi32>
      %sub3A_74 = arith.subi %add3A_63, %mul3A_73 : vector<16xi32>
      %mul3A_75 = arith.constant 64 : i32
      %mul3A_76 = arith.muli %add3A_25, %mul3A_75 : i32
      %add3A_77 = arith.constant 32 : i32
      %add3A_78 = arith.addi %mul3A_76, %add3A_77 : i32
      %get3A_79 = arith.index_cast %add3A_78 : i32 to index
      %get3A_80 = tpu.vector_load %arg5[%get3A_79] {strides = array<i32>} : memref<16384xi32, #tpu.memory_space<vmem>>, vector<16xi32>,
      tpu.vector_store_idx %arg4[%convert_element_type3A_70, %sub3A_74, %get3A_80], %broadcast_in_dim3A_11 masked %lt3A_66 : memref<2x26x1000xf32, #tpu.memory_space<vmem>>[vector<16xi32>, vector<16xi32>, vector<16xi32>], vector<16xf32>, vector<16xi1>
      %add3A_81 = arith.constant 48 : i32
      %add3A_82 = vector.broadcast %add3A_81 : i32 to vector<16xi32>
      %add3A_83 = arith.addi %iota3A, %add3A_82 : vector<16xi32>
      %lt3A_84 = arith.constant 52 : i32
      %lt3A_85 = vector.broadcast %lt3A_84 : i32 to vector<16xi32>
      %lt3A_86 = arith.cmpi slt, %add3A_83, %lt3A_85 : vector<16xi32>
      %ge3A_87 = arith.constant 26 : i32
      %ge3A_88 = vector.broadcast %ge3A_87 : i32 to vector<16xi32>
      %ge3A_89 = arith.cmpi sge, %add3A_83, %ge3A_88 : vector<16xi32>
      %convert_element_type3A_90 = arith.extui %ge3A_89 : vector<16xi1> to vector<16xi32>
      %mul3A_91 = arith.constant 26 : i32
      %mul3A_92 = vector.broadcast %mul3A_91 : i32 to vector<16xi32>
      %mul3A_93 = arith.muli %mul3A_92, %convert_element_type3A_90 : vector<16xi32>
      %sub3A_94 = arith.subi %add3A_83, %mul3A_93 : vector<16xi32>
      %mul3A_95 = arith.constant 64 : i32
      %mul3A_96 = arith.muli %add3A_25, %mul3A_95 : i32
      %add3A_97 = arith.constant 48 : i32
      %add3A_98 = arith.addi %mul3A_96, %add3A_97 : i32
      %get3A_99 = arith.index_cast %add3A_98 : i32 to index
      %get3A_100 = tpu.vector_load %arg5[%get3A_99] {strides = array<i32>} : memref<16384xi32, #tpu.memory_space<vmem>>, vector<16xi32>,
      tpu.vector_store_idx %arg4[%convert_element_type3A_90, %sub3A_94, %get3A_100], %broadcast_in_dim3A_11 masked %lt3A_86 : memref<2x26x1000xf32, #tpu.memory_space<vmem>>[vector<16xi32>, vector<16xi32>, vector<16xi32>], vector<16xf32>, vector<16xi1>
      %mul3A_101 = arith.constant 2 : i32
      %mul3A_102 = arith.muli %add3A_25, %mul3A_101 : i32
      %add3A_103 = arith.addi %mul3A_2, %mul3A_102 : i32
      %dma_start3A_104 = arith.constant 0 : i32
      %dma_start3A_105 = arith.constant 0 : i32
      %dma_start3A_106 = tpu.memref_slice %arg3[%add3A_103, %dma_start3A_104, %dma_start3A_105] : memref<16384x26x1000xf32, #tpu.memory_space<hbm>> -> memref<2x26x1000xf32, #tpu.memory_space<hbm>>
      %dma_start3A_107 = arith.constant 0 : i32
      %dma_start3A_108 = arith.constant 0 : i32
      %dma_start3A_109 = tpu.memref_slice %arg3[%add3A_103, %dma_start3A_107, %dma_start3A_108] : memref<16384x26x1000xf32, #tpu.memory_space<hbm>> -> memref<2x26x1000xf32, #tpu.memory_space<hbm>>
      tpu.enqueue_dma source(%arg4 : memref<2x26x1000xf32, #tpu.memory_space<vmem>>) target(%dma_start3A_109 : memref<2x26x1000xf32, #tpu.memory_space<hbm>>) target_semaphore(%arg6 : memref<!tpu.dma_semaphore, #tpu.memory_space<semaphore_mem>>)
      %dma_wait3A_110 = arith.constant 0 : i32
      %dma_wait3A_111 = arith.constant 0 : i32
      %dma_wait3A_112 = tpu.memref_slice %arg3[%add3A_103, %dma_wait3A_110, %dma_wait3A_111] : memref<16384x26x1000xf32, #tpu.memory_space<hbm>> -> memref<2x26x1000xf32, #tpu.memory_space<hbm>>
      %dma_wait3A_113 = arith.constant 0 : i32
      %dma_wait3A_114 = arith.constant 0 : i32
      %dma_wait3A_115 = tpu.memref_slice %arg3[%add3A_103, %dma_wait3A_113, %dma_wait3A_114] : memref<16384x26x1000xf32, #tpu.memory_space<hbm>> -> memref<2x26x1000xf32, #tpu.memory_space<hbm>>
      tpu.wait_dma2 semaphore(%arg6 : memref<!tpu.dma_semaphore, #tpu.memory_space<semaphore_mem>>) src(%arg4 : memref<2x26x1000xf32, #tpu.memory_space<vmem>>) dst(%dma_wait3A_115 : memref<2x26x1000xf32, #tpu.memory_space<hbm>>)
      %add3A_116 = arith.constant 0 : i32
      %add3A_117 = vector.broadcast %add3A_116 : i32 to vector<16xi32>
      %add3A_118 = arith.addi %iota3A, %add3A_117 : vector<16xi32>
      %lt3A_119 = arith.constant 52 : i32
      %lt3A_120 = vector.broadcast %lt3A_119 : i32 to vector<16xi32>
      %lt3A_121 = arith.cmpi slt, %add3A_118, %lt3A_120 : vector<16xi32>
      %ge3A_122 = arith.constant 26 : i32
      %ge3A_123 = vector.broadcast %ge3A_122 : i32 to vector<16xi32>
      %ge3A_124 = arith.cmpi sge, %add3A_118, %ge3A_123 : vector<16xi32>
      %convert_element_type3A_125 = arith.extui %ge3A_124 : vector<16xi1> to vector<16xi32>
      %mul3A_126 = arith.constant 26 : i32
      %mul3A_127 = vector.broadcast %mul3A_126 : i32 to vector<16xi32>
      %mul3A_128 = arith.muli %mul3A_127, %convert_element_type3A_125 : vector<16xi32>
      %sub3A_129 = arith.subi %add3A_118, %mul3A_128 : vector<16xi32>
      %mul3A_130 = arith.constant 64 : i32
      %mul3A_131 = arith.muli %add3A_25, %mul3A_130 : i32
      %add3A_132 = arith.constant 0 : i32
      %add3A_133 = arith.addi %mul3A_131, %add3A_132 : i32
      %get3A_134 = arith.index_cast %add3A_133 : i32 to index
      %get3A_135 = tpu.vector_load %arg5[%get3A_134] {strides = array<i32>} : memref<16384xi32, #tpu.memory_space<vmem>>, vector<16xi32>,
      tpu.vector_store_idx %arg4[%convert_element_type3A_125, %sub3A_129, %get3A_135], %broadcast_in_dim3A_9 masked %lt3A_121 : memref<2x26x1000xf32, #tpu.memory_space<vmem>>[vector<16xi32>, vector<16xi32>, vector<16xi32>], vector<16xf32>, vector<16xi1>
      %add3A_136 = arith.constant 16 : i32
      %add3A_137 = vector.broadcast %add3A_136 : i32 to vector<16xi32>
      %add3A_138 = arith.addi %iota3A, %add3A_137 : vector<16xi32>
      %lt3A_139 = arith.constant 52 : i32
      %lt3A_140 = vector.broadcast %lt3A_139 : i32 to vector<16xi32>
      %lt3A_141 = arith.cmpi slt, %add3A_138, %lt3A_140 : vector<16xi32>
      %ge3A_142 = arith.constant 26 : i32
      %ge3A_143 = vector.broadcast %ge3A_142 : i32 to vector<16xi32>
      %ge3A_144 = arith.cmpi sge, %add3A_138, %ge3A_143 : vector<16xi32>
      %convert_element_type3A_145 = arith.extui %ge3A_144 : vector<16xi1> to vector<16xi32>
      %mul3A_146 = arith.constant 26 : i32
      %mul3A_147 = vector.broadcast %mul3A_146 : i32 to vector<16xi32>
      %mul3A_148 = arith.muli %mul3A_147, %convert_element_type3A_145 : vector<16xi32>
      %sub3A_149 = arith.subi %add3A_138, %mul3A_148 : vector<16xi32>
      %mul3A_150 = arith.constant 64 : i32
      %mul3A_151 = arith.muli %add3A_25, %mul3A_150 : i32
      %add3A_152 = arith.constant 16 : i32
      %add3A_153 = arith.addi %mul3A_151, %add3A_152 : i32
      %get3A_154 = arith.index_cast %add3A_153 : i32 to index
      %get3A_155 = tpu.vector_load %arg5[%get3A_154] {strides = array<i32>} : memref<16384xi32, #tpu.memory_space<vmem>>, vector<16xi32>,
      tpu.vector_store_idx %arg4[%convert_element_type3A_145, %sub3A_149, %get3A_155], %broadcast_in_dim3A_9 masked %lt3A_141 : memref<2x26x1000xf32, #tpu.memory_space<vmem>>[vector<16xi32>, vector<16xi32>, vector<16xi32>], vector<16xf32>, vector<16xi1>
      %add3A_156 = arith.constant 32 : i32
      %add3A_157 = vector.broadcast %add3A_156 : i32 to vector<16xi32>
      %add3A_158 = arith.addi %iota3A, %add3A_157 : vector<16xi32>
      %lt3A_159 = arith.constant 52 : i32
      %lt3A_160 = vector.broadcast %lt3A_159 : i32 to vector<16xi32>
      %lt3A_161 = arith.cmpi slt, %add3A_158, %lt3A_160 : vector<16xi32>
      %ge3A_162 = arith.constant 26 : i32
      %ge3A_163 = vector.broadcast %ge3A_162 : i32 to vector<16xi32>
      %ge3A_164 = arith.cmpi sge, %add3A_158, %ge3A_163 : vector<16xi32>
      %convert_element_type3A_165 = arith.extui %ge3A_164 : vector<16xi1> to vector<16xi32>
      %mul3A_166 = arith.constant 26 : i32
      %mul3A_167 = vector.broadcast %mul3A_166 : i32 to vector<16xi32>
      %mul3A_168 = arith.muli %mul3A_167, %convert_element_type3A_165 : vector<16xi32>
      %sub3A_169 = arith.subi %add3A_158, %mul3A_168 : vector<16xi32>
      %mul3A_170 = arith.constant 64 : i32
      %mul3A_171 = arith.muli %add3A_25, %mul3A_170 : i32
      %add3A_172 = arith.constant 32 : i32
      %add3A_173 = arith.addi %mul3A_171, %add3A_172 : i32
      %get3A_174 = arith.index_cast %add3A_173 : i32 to index
      %get3A_175 = tpu.vector_load %arg5[%get3A_174] {strides = array<i32>} : memref<16384xi32, #tpu.memory_space<vmem>>, vector<16xi32>,
      tpu.vector_store_idx %arg4[%convert_element_type3A_165, %sub3A_169, %get3A_175], %broadcast_in_dim3A_9 masked %lt3A_161 : memref<2x26x1000xf32, #tpu.memory_space<vmem>>[vector<16xi32>, vector<16xi32>, vector<16xi32>], vector<16xf32>, vector<16xi1>
      %add3A_176 = arith.constant 48 : i32
      %add3A_177 = vector.broadcast %add3A_176 : i32 to vector<16xi32>
      %add3A_178 = arith.addi %iota3A, %add3A_177 : vector<16xi32>
      %lt3A_179 = arith.constant 52 : i32
      %lt3A_180 = vector.broadcast %lt3A_179 : i32 to vector<16xi32>
      %lt3A_181 = arith.cmpi slt, %add3A_178, %lt3A_180 : vector<16xi32>
      %ge3A_182 = arith.constant 26 : i32
      %ge3A_183 = vector.broadcast %ge3A_182 : i32 to vector<16xi32>
      %ge3A_184 = arith.cmpi sge, %add3A_178, %ge3A_183 : vector<16xi32>
      %convert_element_type3A_185 = arith.extui %ge3A_184 : vector<16xi1> to vector<16xi32>
      %mul3A_186 = arith.constant 26 : i32
      %mul3A_187 = vector.broadcast %mul3A_186 : i32 to vector<16xi32>
      %mul3A_188 = arith.muli %mul3A_187, %convert_element_type3A_185 : vector<16xi32>
      %sub3A_189 = arith.subi %add3A_178, %mul3A_188 : vector<16xi32>
      %mul3A_190 = arith.constant 64 : i32
      %mul3A_191 = arith.muli %add3A_25, %mul3A_190 : i32
      %add3A_192 = arith.constant 48 : i32
      %add3A_193 = arith.addi %mul3A_191, %add3A_192 : i32
      %get3A_194 = arith.index_cast %add3A_193 : i32 to index
      %get3A_195 = tpu.vector_load %arg5[%get3A_194] {strides = array<i32>} : memref<16384xi32, #tpu.memory_space<vmem>>, vector<16xi32>,
      tpu.vector_store_idx %arg4[%convert_element_type3A_185, %sub3A_189, %get3A_195], %broadcast_in_dim3A_9 masked %lt3A_181 : memref<2x26x1000xf32, #tpu.memory_space<vmem>>[vector<16xi32>, vector<16xi32>, vector<16xi32>], vector<16xf32>, vector<16xi1>
    }
    %scan3A_20 = arith.constant 256 : i32
    return
  }
}

</mosaic_0001>

<sc_bundles>
// kernel: kernel.3.cloned.1.call-start
scs
__scs_entry_jumppad:
0x0: {  	(pc) =	sbr.rel $0x88, $3  }
0x1: {  	(tag) =	ssettag $0x0;
	lr =	simm.s32 $0x1  }
0x2: {  	[smem:$0x3FA0] =	sst lr;
	_ =	strace $0xD0000000  }
0x3: {  	_ = 	snop  }
0x4: {  	_ = 	snop  }
0x5: {  	_ = 	snop  }
0x6: {  	_ = 	snop  }
0x7: {  	_ = 	snop  }
__scs_overlays_trampoline_lowered:
0x8: {  	[smem:$0x3FAF] =	sst s0  }
0x9: {  	[smem:$0x3FB0] =	sst s1  }
0xa: {  	[smem:$0x3FB1] =	sst s2  }
0xb: {  	[smem:$0x3FB2] =	sst s3  }
0xc: {  	[smem:$0x3FB3] =	sst s4  }
0xd: {  	[smem:$0x3FB4] =	sst s5  }
0xe: {  	[smem:$0x3FB5] =	sst s6  }
0xf: {  	[smem:$0x3FB6] =	sst s7  }
0x10: {  	[smem:$0x3FB7] =	sst s8  }
0x11: {  	[smem:$0x3FB8] =	sst s9;
	s0 =	simm.s32 @!p0 $0x0  }
0x12: {  	s1 =	sld [smem:$0x3F9E];
	s0 =	simm.s32 @p0 $0x1  }
0x13: {  	[smem:$0x3FB9] =	sst s0;
	s0 =	simm.s32 @!p1 $0x0  }
0x14: {  	s2 =	sld [smem:$0x3F9D];
	s0 =	simm.s32 @p1 $0x1  }
0x15: {  	[smem:$0x3FBA] =	sst s0;
	s0 =	simm.s32 @!p2 $0x0  }
0x16: {  	s3 =	sld [smem:$0x3FDB];
	s0 =	simm.s32 @p2 $0x1  }
0x17: {  	s4 =	simm.s32 $0x1BF5;
	[smem:$0x3FBC] =	sst s0  }
0x18: {  	s0 =	sld [smem:$0x3F9F];
	_ =	swait.ge [sflag:s4], $0x0  }
0x19: {  	s7 =	sld [smem:$0x3FA0]  }
0x1a: {  	s8 =	sadd.s32 $0xFFFFE003, lr  }
0x1b: {  	s9 =	sadd.s32 $0xFFFFFEF7, lr;
	s5 =	simm.s32 $0xFFFFFFFF;
	p2 =	slt.u32 s8, $0xFFFFF086  }
0x1c: {  	p1 =	slt.u32 s9, $0xF7A;
	s5 =	simm.s32 @!p2 $0x0  }
0x1d: {  	s5 =	simm.s32 @p1 $0x1;
	p0 =	seq.s32 s7, s2  }
0x1e: {  	s7 =	smul.u32 @!p0 $0xF7A, s2;
	p2 =	seq.s32 @!p0 s5, $0x0  }
0x1f: {  	s9 =	smul.u32 $0xF7A, s1;
	s8 =	simm.s32 @!p0 $0x1BF5;
	p2 =	por !p2, p0  }
0x20: {  	[sflag:s8] =	ssyncset.s32 @!p0 $0xFFFFF086;
	s6 =	sadd.s32 @!p0 s3, s7;
	s7 =	simm.s32 @!p0 $0x108  }
0x21: {  	s3 =	sadd.s32 s3, s9;
	s6 =	sadd.s32 @!p0 $0x88, s6;
	s7 =	simm.s32 @p2 $0x1082  }
0x22: {  	[simem:s7], [sflag:s8] =	dma.local @!p0 [hbm:s6], $0xF7A  }
0x23: {  	s9 =	sor.u32 $0xD0000000, s2;
	s6 =	simm.s32 $0x108;
	_ =	swait.ge @!p0 [sflag:s8], $0x0  }
0x24: {  	s3 =	sadd.s32 $0x88, s3;
	s6 =	simm.s32 @!p1 $0x1082;
	[sflag:s4] =	ssyncset.s32 $0xFFFFF086  }
0x25: {  	[simem:s6], [sflag:s4] =	dma.local [hbm:s3], $0xF7A  }
0x26: {  	[smem:$0x3FA0] =	sst s1;
	(tag) =	ssettag s2;
	_ =	strace s9  }
0x27: {  	s1 =	sld [smem:$0x3FB0]  }
0x28: {  	s2 =	sld [smem:$0x3FB1]  }
0x29: {  	s4 =	sld [smem:$0x3FB3]  }
0x2a: {  	p0 =	seq.s32 s5, $0x0;
	s5 =	sld [smem:$0x3FB4]  }
0x2b: {  	s6 =	sld [smem:$0x3FB5]  }
0x2c: {  	s7 =	sld [smem:$0x3FB6]  }
0x2d: {  	s3 =	simm.s32 $0x108;
	s8 =	sld [smem:$0x3FB7]  }
0x2e: {  	s3 =	simm.s32 @!p0 $0x1082;
	s9 =	sld [smem:$0x3FB8]  }
0x2f: {  	lr =	sadd.s32 s0, s3;
	s0 =	sld [smem:$0x3FAF]  }
0x30: {  	s3 =	sld [smem:$0x3FB2]  }
0x31: {  	[smem:$0x3FBB] =	sst s10  }
0x32: {  	s10 =	sld [smem:$0x3FB9];
	_ =	sdelay $0x3  }
0x33: {  	p0 =	seq.s32 s10, $0x1;
	s10 =	sld [smem:$0x3FBB];
	_ =	sdelay $0x3  }
0x34: {  	[smem:$0x3FBB] =	sst s10  }
0x35: {  	s10 =	sld [smem:$0x3FBA];
	_ =	sdelay $0x3  }
0x36: {  	p1 =	seq.s32 s10, $0x1;
	s10 =	sld [smem:$0x3FBB];
	_ =	sdelay $0x3  }
0x37: {  	[smem:$0x3FBB] =	sst s10  }
0x38: {  	s10 =	sld [smem:$0x3FBC]  }
0x39: {  	_ = 	snop;
	(pc) =	sbr.ind lr, $3  }
0x3a: {  	_ = 	snop  }
0x3b: {  	_ = 	snop  }
0x3c: {  	p2 =	seq.s32 s10, $0x1;
	s10 =	sld [smem:$0x3FBB]  }
0x3d: {  	_ =	shalt  }
0x3e: {  	_ =	shalt  }
0x3f: {  	_ =	shalt  }
0x40: {  	_ =	shalt  }
0x41: {  	_ =	shalt  }
0x42: {  	_ =	shalt  }
0x43: {  	_ =	shalt  }
0x44: {  	_ =	shalt  }
0x45: {  	_ =	shalt  }
0x46: {  	_ =	shalt  }
0x47: {  	_ =	shalt  }
0x48: {  	_ =	shalt  }
0x49: {  	_ =	shalt  }
0x4a: {  	_ =	shalt  }
0x4b: {  	_ =	shalt  }
0x4c: {  	_ =	shalt  }
0x4d: {  	_ =	shalt  }
0x4e: {  	_ =	shalt  }
0x4f: {  	_ =	shalt  }
0x50: {  	_ =	shalt  }
0x51: {  	_ =	shalt  }
0x52: {  	_ =	shalt  }
0x53: {  	_ =	shalt  }
0x54: {  	_ =	shalt  }
0x55: {  	_ =	shalt  }
0x56: {  	_ =	shalt  }
0x57: {  	_ =	shalt  }
0x58: {  	_ =	shalt  }
0x59: {  	_ =	shalt  }
0x5a: {  	_ =	shalt  }
0x5b: {  	_ =	shalt  }
0x5c: {  	_ =	shalt  }
0x5d: {  	_ =	shalt  }
0x5e: {  	_ =	shalt  }
0x5f: {  	_ =	shalt  }
0x60: {  	_ =	shalt  }
0x61: {  	_ =	shalt  }
0x62: {  	_ =	shalt  }
0x63: {  	_ =	shalt  }
0x64: {  	_ =	shalt  }
0x65: {  	_ =	shalt  }
0x66: {  	_ =	shalt  }
0x67: {  	_ =	shalt  }
0x68: {  	_ =	shalt  }
0x69: {  	_ =	shalt  }
0x6a: {  	_ =	shalt  }
0x6b: {  	_ =	shalt  }
0x6c: {  	_ =	shalt  }
0x6d: {  	_ =	shalt  }
0x6e: {  	_ =	shalt  }
0x6f: {  	_ =	shalt  }
0x70: {  	_ =	shalt  }
0x71: {  	_ =	shalt  }
0x72: {  	_ =	shalt  }
0x73: {  	_ =	shalt  }
0x74: {  	_ =	shalt  }
0x75: {  	_ =	shalt  }
0x76: {  	_ =	shalt  }
0x77: {  	_ =	shalt  }
0x78: {  	_ =	shalt  }
0x79: {  	_ =	shalt  }
0x7a: {  	_ =	shalt  }
0x7b: {  	_ =	shalt  }
0x7c: {  	_ =	shalt  }
0x7d: {  	_ =	shalt  }
0x7e: {  	_ =	shalt  }
0x7f: {  	_ =	shalt  }
0x80: {  	_ =	shalt  }
0x81: {  	_ =	shalt  }
0x82: {  	_ =	shalt  }
0x83: {  	_ =	shalt  }
0x84: {  	_ =	shalt  }
0x85: {  	_ =	shalt  }
0x86: {  	_ =	shalt  }
0x87: {  	_ =	shalt  }
.Lfunc_end0:
.L_simem_size_0:
called_computation_lowered:
.L_overlay_start_0:
0x88: {  	s2 =	sld [smem:$0x3FD9]  }
0x89: {  	s3 =	sld [smem:$0x3FFE];
	_ =	sdelay $0x1  }
0x8a: {  	s1 =	srdreg.scid  }
0x8b: {  	s0 =	sand.u32 $0x1, s1  }
0x8c: {  	s17 =	sshll.u32 s0, $0xA;
	s2 =	sadd.s32 s3, s2  }
0x8d: {  	s2 =	sadd.s32 s2, s17  }
0x8e: {  	[smem:$0x3FC7] =	sst s2  }
0x8f: {  	_ = 	snop  }
0x90: {  	s2 =	sld [smem:$0x3FD0];
	(tm) =	ssettm $0x1  }
0x91: {  	s18 =	sld [smem:$0x3FFB];
	_ =	sdelay $0x3  }
0x92: {  	_ =	strace s18  }
0x93: {  	s3 =	sld [smem:$0x3FFC];
	_ =	sdelay $0x3  }
0x94: {  	_ =	strace s3  }
0x95: {  	s3 =	sld [smem:$0x3FFD];
	_ =	sdelay $0x3  }
0x96: {  	_ =	strace s3  }
0x97: {  	_ =	strace $0x8FFFFFFF  }
0x98: {  	s19 =	sld [smem:$0x3FDB];
	_ =	sdelay $0x1  }
0x99: {  	s4 =	simm.s32 $_scs_section_size  }
0x9a: {  	s5 =	simm.s32 $_size__tile_overlayer_lowered;
	s6 =	simm.s32 $_tile_overlayer_lowered  }
0x9b: {  	s22 =	simm.s32 $0x1BFF;
	s21 =	sshll.u32 s6, $0x1;
	s3 =	sadd.s32 s4, s19  }
0x9c: {  	s7 =	simm.s32 $0x0;
	s20 =	sshll.u32 s5, $0x1;
	s5 =	sadd.s32 s21, s3  }
0x9d: {  	[timem:s7], [sflag:s22] =	dma.local [hbm:s5], s20  }
0x9e: {  	_ =	swait.ge [sflag:s22], s20  }
0x9f: {  	s4 =	ssub.s32 $0x0, s20;
	[sflag:s22] =	ssyncset.done $0x0  }
0xa0: {  	[sflag:s22] =	ssyncadd.s32 s4;
	_ =	sdelay $0x1  }
0xa1: {  	s23 =	simm.s32 $0x1B8B  }
0xa2: {  	_ =	swait.ge [sflag:s23], $0x1  }
0xa3: {  	[sflag:s23] =	ssyncset.done $0x0  }
0xa4: {  	s25 =	simm.s32 $0x1B8E;
	s24 =	sld [smem:$0x3FFE];
	[sflag:s23] =	ssyncadd.s32 $0xFFFFFFFF  }
0xa5: {  	s26 =	simm.s32 $execute0_lowered;
	[smem:$0x3FD2] =	sst s25  }
0xa6: {  	s5 =	sshll.u32 s26, $0x1;
	_ =	strace $0x80000046;
	[dreg:$0x1] =	wrdreg $0xFFFFFFFF  }
0xa7: {  	s28 =	simm.s32 $_size_execute0_lowered;
	s3 =	sadd.s32 s3, s5;
	[dreg:$0x0] =	wrdreg $0x0  }
0xa8: {  	s5 =	sshll.u32 s28, $0x1;
	[dreg:$0x2] =	wrdreg s3  }
0xa9: {  	[dreg:$0x3] =	wrdreg s5  }
0xaa: {  	[dreg:$0x4] =	wrdreg $0xC0  }
0xab: {  	_ =	task [dreg:s7], $0x5FFFF  }
0xac: {  	[dreg:$0x1] =	wrdreg $0xFFFFFFFF  }
0xad: {  	[dreg:$0x0] =	wrdreg $0x60  }
0xae: {  	[dreg:$0x2] =	wrdreg s2  }
0xaf: {  	[dreg:$0x3] =	wrdreg s24  }
0xb0: {  	[dreg:$0x4] =	wrdreg $0x9  }
0xb1: {  	_ =	task.clear_ibuf [dreg:s7], $0x5FFFF;
	_ =	strace $0x90000046  }
0xb2: {  	s29 =	simm.s32 $0x9;
	_ =	strace $0x80000048  }
0xb3: {  	_ =	swait.ge [sflag:s29], $0x1  }
0xb4: {  	[sflag:s29] =	ssyncadd.s32 $0xFFFFFFFF  }
0xb5: {  	_ =	strace $0x90000048  }
0xb6: {  	_ =	sfence  }
0xb7: {  	s30 =	sld [smem:$0x0];
	_ =	sdelay $0x2  }
0xb8: {  	s31 =	sshll.u32 s1, $0xD;
	s1 =	sshrl.u32 s1, $0x2  }
0xb9: {  	s3 =	sand.u32 $0x4000, s31;
	s1 =	sadd.s32 s1, s30  }
0xba: {  	s0 =	sor.u32 s3, s0;
	s1 =	sshll.u32 s1, $0x11  }
0xbb: {  	s0 =	sor.u32 s1, s0  }
0xbc: {  	s0 =	sadd.s32 $0x8F2B, s0  }
0xbd: {  	[sflag:s0] =	ssyncadd.remote.s32 $0x1  }
0xbe: {  	_ =	sfence.sel $0xFFFF  }
0xbf: {  	[dreg:$0x0] =	wrdreg $0xFFFFFFFF;
	(pc) =	sbr.abs _section_cstart, $3  }
0xc0: {  	[dreg:$0x1] =	wrdreg $0xFFFFFFFF  }
0xc1: {  	_ =	task.clear_ibuf [dreg:s7], $0x2FFFF;
	_ =	strace $0x9FFFFFFF  }
0xc2: {  	(tm) =	ssettm $0x7FFFFFFF  }
0xc3: {  	_ =	shalt  }
tec
execute0_lowered:
.L_overlay_start_1:
0x0: {  	(tag) =	ssettag $0x1  }
0x1: {  	v0 =	vimm.s32 $0x2380;
	vm14 =	vcmask $0x300;
	vm13 =	vcmask $0x704  }
0x2: {  	vm12 =	vcmask $0xB08;
	vm11 =	vcmask $0xF0C;
	vm10 =	vcmask $0x1310  }
0x3: {  	vm9 =	vcmask $0x1714;
	vm8 =	vcmask $0x1B18;
	vm7 =	vcmask $0x1F1C  }
0x4: {  	vm6 =	vcmask $0x2320;
	vm5 =	vcmask $0x2724;
	vm4 =	vcmask $0x2B28  }
0x5: {  	vm3 =	vcmask $0x2F2C;
	vm2 =	vcmask $0x3330;
	vm1 =	vcmask $0x3734  }
0x6: {  	vm0 =	vcmask $0x3B38;
	v2 =	vimm.f32 $1.000000000e+00;
	v3 =	vimm.s32 $0x8280  }
0x7: {  	v4 =	vimm.s32 $0xC280;
	v5 =	vimm.s32 $0x10280;
	v0 =	vsel vm14, $0x0, v0  }
0x8: {  	v3 =	vsel vm14, $0x4000, v3;
	v4 =	vsel vm14, $0x8300, v4;
	v5 =	vsel vm14, $0xC300, v5  }
0x9: {  	v0 =	vsel vm13, $0x80, v0;
	v3 =	vsel vm13, $0x4080, v3;
	v4 =	vsel vm13, $0x8380, v4  }
0xa: {  	v5 =	vsel vm13, $0xC380, v5;
	v0 =	vsel vm12, $0x100, v0;
	v3 =	vsel vm12, $0x4100, v3  }
0xb: {  	v4 =	vsel vm12, $0xA000, v4;
	v5 =	vsel vm12, $0xE000, v5;
	v0 =	vsel vm11, $0x180, v0  }
0xc: {  	v3 =	vsel vm11, $0x4180, v3;
	v4 =	vsel vm11, $0xA080, v4;
	v5 =	vsel vm11, $0xE080, v5  }
0xd: {  	v0 =	vsel vm10, $0x200, v0;
	v3 =	vsel vm10, $0x4200, v3;
	v4 =	vsel vm10, $0xA100, v4  }
0xe: {  	v5 =	vsel vm10, $0xE100, v5;
	v0 =	vsel vm9, $0x280, v0;
	v3 =	vsel vm9, $0x4280, v3  }
0xf: {  	v4 =	vsel vm9, $0xA180, v4;
	v5 =	vsel vm9, $0xE180, v5;
	v0 =	vsel vm8, $0x300, v0  }
0x10: {  	v3 =	vsel vm8, $0x4300, v3;
	v4 =	vsel vm8, $0xA200, v4;
	v5 =	vsel vm8, $0xE200, v5  }
0x11: {  	v0 =	vsel vm7, $0x380, v0;
	v3 =	vsel vm7, $0x4380, v3;
	v4 =	vsel vm7, $0xA280, v4  }
0x12: {  	s3 =	rddreg [dreg:$0x0];
	v5 =	vsel vm7, $0xE280, v5;
	v0 =	vsel vm6, $0x2000, v0;
	v3 =	vsel vm6, $0x6000, v3  }
0x13: {  	s4 =	rddreg [dreg:$0x1];
	v4 =	vsel vm6, $0xA300, v4;
	v5 =	vsel vm6, $0xE300, v5;
	v0 =	vsel vm5, $0x2080, v0  }
0x14: {  	s0 =	rddreg [dreg:$0x2];
	s2 =	simm.s32 $0x0;
	s1 =	stileid.u32;
	v3 =	vsel vm5, $0x6080, v3;
	v4 =	vsel vm5, $0xA380, v4;
	v5 =	vsel vm5, $0xE380, v5  }
0x15: {  	s6 =	srdreg.scid;
	[smem:$0x7FF] =	sst s2;
	s5 =	sshll.u32 s1, $0x16;
	v0 =	vsel vm4, $0x2100, v0;
	v3 =	vsel vm4, $0x8000, v3;
	v4 =	vsel vm4, $0xC000, v4  }
0x16: {  	s31 =	sand.u32 $0x1, s6;
	s7 =	sshll.u32 s1, $0xC;
	_ =	strace $0x80000047;
	v5 =	vsel vm4, $0x10000, v5;
	v0 =	vsel vm3, $0x2180, v0;
	v3 =	vsel vm3, $0x8080, v3  }
0x17: {  	s4 =	sadd.s32 s5, s4;
	s6 =	ssub.s32 $0x2, s31;
	s8 =	sshll.u32 s31, $0xB;
	v4 =	vsel vm3, $0xC080, v4;
	v5 =	vsel vm3, $0x10080, v5;
	v0 =	vsel vm2, $0x2200, v0  }
0x18: {  	s5 =	sshll.u32 s31, $0x15;
	s9 =	sshrl.u32 s6, $0x1;
	s7 =	sor.u32 s8, s7;
	v3 =	vsel vm2, $0x8100, v3;
	v4 =	vsel vm2, $0xC100, v4;
	v5 =	vsel vm2, $0x10100, v5  }
0x19: {  	s5 =	sadd.s32 s5, s4;
	s8 =	simm.s32 $0x1;
	s6 =	ssub.s32 s6, s9;
	v1 =	vsel vm1, $0x2280, v0;
	v0 =	vimm.f32 $0.0e+00;
	v3 =	vsel vm1, $0x8180, v3  }
0x1a: {  	s3 =	sadd.s32 s3, s7;
	s5 =	sadd.s32 $0x400, s5;
	s7 =	simm.s32 $0x2;
	v4 =	vsel vm1, $0xC180, v4;
	v5 =	vsel vm1, $0x10180, v5;
	v1 =	vsel vm0, $0x2300, v1  }
0x1b: {  	s9 =	simm.s32 $0x0;
	s4 =	smax.u32 s6, $0x1;
	s6 =	simm.s32 $0x10000;
	v3 =	vsel vm0, $0x8200, v3;
	v4 =	vsel vm0, $0xC200, v4;
	v5 =	vsel vm0, $0x10200, v5  }
.LBB2_1:
0x1c: {  	[tilespmem:s6], [sflag:$0x2] =	stream.linear.gather [hbm4b:s3+s2], $0x4000, $0x38;
	[tilespmem:$0x14000] =	vst v63  }
0x1d: {  	_ =	swait.ge [sflag:s7], $0x4000  }
0x1e: {  	s10 =	simm.s32 $0x0;
	[sflag:s7] =	ssyncset.done $0x0  }
0x1f: {  	s11 =	simm.s32 $0x0;
	s12 =	simm.s32 $0x0;
	[sflag:s7] =	ssyncadd.s32 $0xFFFFC000  }
.LBB2_2:
0x20: {  	s14 =	sand.u32 $0x6000, s12;
	s13 =	sand.u32 $0x380, s11  }
0x21: {  	s13 =	sor.u32 s13, s14  }
0x22: {  	[tilespmem:s13+$0x0] =	vst v0  }
0x23: {  	[tilespmem:s13+$0x10] =	vst v0  }
0x24: {  	[tilespmem:s13+$0x20] =	vst v0  }
0x25: {  	[tilespmem:s13+$0x30] =	vst v0  }
0x26: {  	[tilespmem:s13+$0x40] =	vst v0  }
0x27: {  	[tilespmem:s13+$0x50] =	vst v0  }
0x28: {  	[tilespmem:s13+$0x60] =	vst v0  }
0x29: {  	[tilespmem:s13+$0x70] =	vst v0  }
0x2a: {  	[tilespmem:s13+$0x400] =	vst v0  }
0x2b: {  	[tilespmem:s13+$0x410] =	vst v0  }
0x2c: {  	[tilespmem:s13+$0x420] =	vst v0  }
0x2d: {  	[tilespmem:s13+$0x430] =	vst v0  }
0x2e: {  	[tilespmem:s13+$0x440] =	vst v0  }
0x2f: {  	[tilespmem:s13+$0x450] =	vst v0  }
0x30: {  	[tilespmem:s13+$0x460] =	vst v0  }
0x31: {  	[tilespmem:s13+$0x470] =	vst v0  }
0x32: {  	[tilespmem:s13+$0x800] =	vst v0  }
0x33: {  	[tilespmem:s13+$0x810] =	vst v0  }
0x34: {  	[tilespmem:s13+$0x820] =	vst v0  }
0x35: {  	[tilespmem:s13+$0x830] =	vst v0  }
0x36: {  	[tilespmem:s13+$0x840] =	vst v0  }
0x37: {  	[tilespmem:s13+$0x850] =	vst v0  }
0x38: {  	[tilespmem:s13+$0x860] =	vst v0  }
0x39: {  	[tilespmem:s13+$0x870] =	vst v0  }
0x3a: {  	[tilespmem:s13+$0xC00] =	vst v0  }
0x3b: {  	[tilespmem:s13+$0xC10] =	vst v0  }
0x3c: {  	[tilespmem:s13+$0xC20] =	vst v0  }
0x3d: {  	[tilespmem:s13+$0xC30] =	vst v0  }
0x3e: {  	[tilespmem:s13+$0xC40] =	vst v0  }
0x3f: {  	[tilespmem:s13+$0xC50] =	vst v0  }
0x40: {  	[tilespmem:s13+$0xC60] =	vst v0  }
0x41: {  	[tilespmem:s13+$0xC70] =	vst v0  }
0x42: {  	[tilespmem:s13+$0x1000] =	vst v0  }
0x43: {  	[tilespmem:s13+$0x1010] =	vst v0  }
0x44: {  	[tilespmem:s13+$0x1020] =	vst v0  }
0x45: {  	[tilespmem:s13+$0x1030] =	vst v0  }
0x46: {  	[tilespmem:s13+$0x1040] =	vst v0  }
0x47: {  	[tilespmem:s13+$0x1050] =	vst v0  }
0x48: {  	[tilespmem:s13+$0x1060] =	vst v0  }
0x49: {  	[tilespmem:s13+$0x1070] =	vst v0  }
0x4a: {  	[tilespmem:s13+$0x1400] =	vst v0  }
0x4b: {  	[tilespmem:s13+$0x1410] =	vst v0  }
0x4c: {  	[tilespmem:s13+$0x1420] =	vst v0  }
0x4d: {  	[tilespmem:s13+$0x1430] =	vst v0  }
0x4e: {  	[tilespmem:s13+$0x1440] =	vst v0  }
0x4f: {  	[tilespmem:s13+$0x1450] =	vst v0  }
0x50: {  	[tilespmem:s13+$0x1460] =	vst v0  }
0x51: {  	[tilespmem:s13+$0x1470] =	vst v0  }
0x52: {  	[tilespmem:s13+$0x1800] =	vst v0  }
0x53: {  	[tilespmem:s13+$0x1810] =	vst v0  }
0x54: {  	[tilespmem:s13+$0x1820] =	vst v0  }
0x55: {  	[tilespmem:s13+$0x1830] =	vst v0  }
0x56: {  	s15 =	sand.u32 $0x7, s10;
	[tilespmem:s13+$0x1840] =	vst v0  }
0x57: {  	s15 =	sshll.u32 s15, $0x7;
	[tilespmem:s13+$0x1850] =	vst v0  }
0x58: {  	[tilespmem:s13+$0x1860] =	vst v0;
	s15 =	sadd.s32 s15, s12  }
0x59: {  	[tilespmem:s13+$0x1870] =	vst v0;
	s16 =	sor.u32 $0x1C00, s15  }
0x5a: {  	s24 =	sor.u32 $0x1C10, s15;
	[tilespmem:s16+$0x0] =	vst v0  }
0x5b: {  	s25 =	sor.u32 $0x1C20, s15;
	[tilespmem:s24+$0x0] =	vst v0  }
0x5c: {  	s26 =	sor.u32 $0x1C30, s15;
	[tilespmem:s25+$0x0] =	vst v0  }
0x5d: {  	s28 =	sor.u32 $0x1C40, s15;
	[tilespmem:s26+$0x0] =	vst v0  }
0x5e: {  	s29 =	sor.u32 $0x1C50, s15;
	[tilespmem:s28+$0x0] =	vst v0  }
0x5f: {  	s15 =	sor.u32 $0x1C58, s15;
	[tilespmem:s29+$0x0] =	vst v0  }
0x60: {  	[tilespmem:s15+$0x0] =	vst v0  }
0x61: {  	[tilespmem:s13+$0x8000] =	vst v0  }
0x62: {  	[tilespmem:s13+$0x8010] =	vst v0  }
0x63: {  	[tilespmem:s13+$0x8020] =	vst v0  }
0x64: {  	[tilespmem:s13+$0x8030] =	vst v0  }
0x65: {  	[tilespmem:s13+$0x8040] =	vst v0  }
0x66: {  	[tilespmem:s13+$0x8050] =	vst v0  }
0x67: {  	[tilespmem:s13+$0x8060] =	vst v0  }
0x68: {  	[tilespmem:s13+$0x8070] =	vst v0  }
0x69: {  	[tilespmem:s13+$0x8400] =	vst v0  }
0x6a: {  	[tilespmem:s13+$0x8410] =	vst v0  }
0x6b: {  	[tilespmem:s13+$0x8420] =	vst v0  }
0x6c: {  	[tilespmem:s13+$0x8430] =	vst v0  }
0x6d: {  	[tilespmem:s13+$0x8440] =	vst v0  }
0x6e: {  	[tilespmem:s13+$0x8450] =	vst v0  }
0x6f: {  	[tilespmem:s13+$0x8460] =	vst v0  }
0x70: {  	[tilespmem:s13+$0x8470] =	vst v0  }
0x71: {  	[tilespmem:s13+$0x8800] =	vst v0  }
0x72: {  	[tilespmem:s13+$0x8810] =	vst v0  }
0x73: {  	[tilespmem:s13+$0x8820] =	vst v0  }
0x74: {  	[tilespmem:s13+$0x8830] =	vst v0  }
0x75: {  	[tilespmem:s13+$0x8840] =	vst v0  }
0x76: {  	[tilespmem:s13+$0x8850] =	vst v0  }
0x77: {  	s14 =	sor.u32 s14, s11;
	[tilespmem:s13+$0x8860] =	vst v0  }
0x78: {  	s14 =	sor.u32 $0x8C00, s14;
	[tilespmem:s13+$0x8870] =	vst v0  }
0x79: {  	[tilespmem:s14+$0x0] =	vst v0  }
0x7a: {  	[tilespmem:s14+$0x10] =	vst v0  }
0x7b: {  	[tilespmem:s14+$0x20] =	vst v0  }
0x7c: {  	[tilespmem:s14+$0x30] =	vst v0  }
0x7d: {  	[tilespmem:s14+$0x40] =	vst v0  }
0x7e: {  	[tilespmem:s14+$0x50] =	vst v0  }
0x7f: {  	[tilespmem:s14+$0x60] =	vst v0  }
0x80: {  	[tilespmem:s14+$0x70] =	vst v0  }
0x81: {  	[tilespmem:s13+$0x9000] =	vst v0  }
0x82: {  	[tilespmem:s13+$0x9010] =	vst v0  }
0x83: {  	[tilespmem:s13+$0x9020] =	vst v0  }
0x84: {  	[tilespmem:s13+$0x9030] =	vst v0  }
0x85: {  	[tilespmem:s13+$0x9040] =	vst v0  }
0x86: {  	[tilespmem:s13+$0x9050] =	vst v0  }
0x87: {  	[tilespmem:s13+$0x9060] =	vst v0  }
0x88: {  	[tilespmem:s13+$0x9070] =	vst v0  }
0x89: {  	[tilespmem:s13+$0x9400] =	vst v0  }
0x8a: {  	[tilespmem:s13+$0x9410] =	vst v0  }
0x8b: {  	[tilespmem:s13+$0x9420] =	vst v0  }
0x8c: {  	[tilespmem:s13+$0x9430] =	vst v0  }
0x8d: {  	[tilespmem:s13+$0x9440] =	vst v0  }
0x8e: {  	[tilespmem:s13+$0x9450] =	vst v0  }
0x8f: {  	[tilespmem:s13+$0x9460] =	vst v0  }
0x90: {  	[tilespmem:s13+$0x9470] =	vst v0  }
0x91: {  	[tilespmem:s13+$0x9800] =	vst v0  }
0x92: {  	[tilespmem:s13+$0x9810] =	vst v0  }
0x93: {  	[tilespmem:s13+$0x9820] =	vst v0  }
0x94: {  	[tilespmem:s13+$0x9830] =	vst v0  }
0x95: {  	[tilespmem:s13+$0x9840] =	vst v0  }
0x96: {  	[tilespmem:s13+$0x9850] =	vst v0  }
0x97: {  	s30 =	sor.u32 s12, s11;
	[tilespmem:s13+$0x9860] =	vst v0  }
0x98: {  	s31 =	sor.u32 $0x9C00, s30;
	[tilespmem:s13+$0x9870] =	vst v0  }
0x99: {  	[tilespmem:s31+$0x0] =	vst v0  }
0x9a: {  	p0 =	sne.s32 s12, $0x6400;
	[tilespmem:s31+$0x10] =	vst v0  }
.Ltmp0:
0x9b: {  	[tilespmem:s31+$0x20] =	vst v0;
	(pc) =	sbr.rel @p0 .LBB2_2-.Ltmp0, $4  }
0x9c: {  	[tilespmem:s31+$0x30] =	vst v0  }
0x9d: {  	[tilespmem:s31+$0x40] =	vst v0  }
0x9e: {  	[tilespmem:s31+$0x50] =	vst v0  }
0x9f: {  	s10 =	sadd.s32 $0x1, s10;
	s11 =	sadd.s32 $0x80, s11;
	s12 =	sadd.s32 $0x400, s12;
	[tilespmem:s31+$0x58] =	vst v0  }
0xa0: {  	s10 =	simm.s32 $0x0;
	s11 =	simm.s32 $0x10020  }
.LBB2_4:
0xa1: {  	v6 =	vld [tilespmem:s11+$0xFFFFFFE0];
	_ =	sdelay $0x4  }
0xa2: {  	v7 =	vshll.u32 v6, $0x3  }
0xa3: {  	v6 =	vand.u32 $0x7F, v6;
	v7 =	vand.u32 $0xFFFFFC00, v7  }
0xa4: {  	v6 =	vor.u32 v6, v7  }
0xa5: {  	v6 =	vadd.s32 v1, v6;
	_ =	sdelay $0x4  }
0xa6: {  	[tilespmem:v6+s2+$0x0] =	vst.idx.msk $0xffff, v2  }
0xa7: {  	v6 =	vld [tilespmem:s11+$0xFFFFFFF0];
	_ =	sdelay $0x4  }
0xa8: {  	v7 =	vshll.u32 v6, $0x3  }
0xa9: {  	v6 =	vand.u32 $0x7F, v6;
	v7 =	vand.u32 $0xFFFFFC00, v7  }
0xaa: {  	v6 =	vor.u32 v6, v7  }
0xab: {  	v6 =	vadd.s32 v3, v6;
	_ =	sdelay $0x4  }
0xac: {  	[tilespmem:v6+s2+$0x0] =	vst.idx.msk $0xffff, v2  }
0xad: {  	v6 =	vld [tilespmem:s11+$0x0];
	_ =	sdelay $0x4  }
0xae: {  	v7 =	vshll.u32 v6, $0x3  }
0xaf: {  	v6 =	vand.u32 $0x7F, v6;
	v7 =	vand.u32 $0xFFFFFC00, v7  }
0xb0: {  	v6 =	vor.u32 v6, v7  }
0xb1: {  	v6 =	vadd.s32 v4, v6;
	_ =	sdelay $0x4  }
0xb2: {  	[tilespmem:v6+s2+$0x0] =	vst.idx.msk $0xffff, v2  }
0xb3: {  	v6 =	vld [tilespmem:s11+$0x10];
	_ =	sdelay $0x4  }
0xb4: {  	v7 =	vshll.u32 v6, $0x3  }
0xb5: {  	v6 =	vand.u32 $0x7F, v6;
	v7 =	vand.u32 $0xFFFFFC00, v7  }
0xb6: {  	v6 =	vor.u32 v6, v7  }
0xb7: {  	v6 =	vadd.s32 v5, v6;
	_ =	sdelay $0x4  }
0xb8: {  	s12 =	sadd.s32 s10, s5;
	[tilespmem:v6+s2+$0x0] =	vst.idx.msk $0xf, v2  }
0xb9: {  	[hbm4b:s12+s2] =	stream.linear.scatter [tilespmem:s2], [sflag:$0x1], $0x10000, $0x38;
	[tilespmem:$0x14000] =	vst v63  }
0xba: {  	_ =	swait.ge [sflag:s8], $0x10000  }
0xbb: {  	[sflag:s8] =	ssyncset.done $0x0  }
0xbc: {  	[sflag:s8] =	ssyncadd.s32 $0xFFFF0000  }
0xbd: {  	v6 =	vld [tilespmem:s11+$0xFFFFFFE0];
	_ =	sdelay $0x4  }
0xbe: {  	v7 =	vshll.u32 v6, $0x3  }
0xbf: {  	v6 =	vand.u32 $0x7F, v6;
	v7 =	vand.u32 $0xFFFFFC00, v7  }
0xc0: {  	v6 =	vor.u32 v6, v7  }
0xc1: {  	v6 =	vadd.s32 v1, v6;
	_ =	sdelay $0x4  }
0xc2: {  	[tilespmem:v6+s2+$0x0] =	vst.idx.msk $0xffff, v0  }
0xc3: {  	v6 =	vld [tilespmem:s11+$0xFFFFFFF0];
	_ =	sdelay $0x4  }
0xc4: {  	v7 =	vshll.u32 v6, $0x3  }
0xc5: {  	v6 =	vand.u32 $0x7F, v6;
	v7 =	vand.u32 $0xFFFFFC00, v7  }
0xc6: {  	v6 =	vor.u32 v6, v7  }
0xc7: {  	v6 =	vadd.s32 v3, v6;
	_ =	sdelay $0x4  }
0xc8: {  	[tilespmem:v6+s2+$0x0] =	vst.idx.msk $0xffff, v0  }
0xc9: {  	v6 =	vld [tilespmem:s11+$0x0];
	_ =	sdelay $0x4  }
0xca: {  	v7 =	vshll.u32 v6, $0x3  }
0xcb: {  	v6 =	vand.u32 $0x7F, v6;
	v7 =	vand.u32 $0xFFFFFC00, v7  }
0xcc: {  	v6 =	vor.u32 v6, v7  }
0xcd: {  	v6 =	vadd.s32 v4, v6;
	_ =	sdelay $0x4  }
0xce: {  	[tilespmem:v6+s2+$0x0] =	vst.idx.msk $0xffff, v0  }
0xcf: {  	v6 =	vld [tilespmem:s11+$0x10];
	_ =	sdelay $0x4  }
0xd0: {  	v7 =	vshll.u32 v6, $0x3  }
0xd1: {  	v6 =	vand.u32 $0x7F, v6;
	v7 =	vand.u32 $0xFFFFFC00, v7  }
0xd2: {  	v6 =	vor.u32 v6, v7  }
0xd3: {  	p0 =	sne.s32 s10, $0x1FE000;
	v6 =	vadd.s32 v5, v6  }
.Ltmp1:
0xd4: {  	_ = 	snop;
	(pc) =	sbr.rel @p0 .LBB2_4-.Ltmp1, $2  }
0xd5: {  	_ =	sdelay $0x2  }
0xd6: {  	s10 =	sadd.s32 $0x2000, s10;
	s11 =	sadd.s32 $0x40, s11;
	[tilespmem:v6+s2+$0x0] =	vst.idx.msk $0xf, v0  }
0xd7: {  	s9 =	sadd.s32 $0x1, s9  }
0xd8: {  	p0 =	sne.s32 s9, s4  }
.Ltmp2:
0xd9: {  	_ = 	snop;
	(pc) =	sbr.rel @p0 .LBB2_1-.Ltmp2, $1  }
0xda: {  	_ =	sdelay $0x3  }
0xdb: {  	_ =	sfence.sel $0x180000  }
0xdc: {  	[bflag:$0x0] =	sbarrier.arrive $0xFFFF  }
0xdd: {  	p0 =	sne.s32 s1, $0x0;
	_ =	strace $0x90000047  }
0xde: {  	s0 =	sadd.s32 @!p0 $0x100000, s0;
	[bflag:$0x2] =	sbarrier.arrive $0xFFFF  }
0xdf: {  	[sflag:s0] =	ssyncadd.tile.s32 @!p0 $0x1;
	_ =	shalt  }
.Lfunc_end2:
_tile_overlayer_lowered:
.L_overlay_start_2:
0xe0: {  	(tag) =	ssettag $0x2  }
0xe1: {  	s0 =	rddreg [dreg:$0x0];
	s2 =	stileid.u32  }
0xe2: {  	s1 =	rddreg [dreg:$0x1];
	p0 =	sne.s32 s2, $0x0  }
0xe3: {  	s3 =	rddreg [dreg:$0x2];
	[bflag:$0x3] =	sbarrier.arrive $0xFFFF;
	s2 =	simm.s32 @!p0 $0x1C03  }
0xe4: {  	[timem:s3], [sflag:s2] =	dma.local @!p0 [hbm:s0], s1  }
0xe5: {  	s0 =	simm.s32 @!p0 $0x3  }
0xe6: {  	_ =	swait.ge @!p0 [sflag:s0], s1  }
0xe7: {  	s1 =	ssub.s32 @!p0 $0x0, s1;
	[sflag:s0] =	ssyncset.done @!p0 $0x0  }
0xe8: {  	[sflag:s0] =	ssyncadd.s32 @!p0 s1  }
0xe9: {  	[bflag:$0x3] =	sbarrier.arrive $0xFFFF  }
0xea: {  	_ =	shalt  }

</sc_bundles>
